<compile_context>
chip_gen: v7x
topology: tpu7x:2x2x1
jax: 0.10.2.dev20260603
libtpu: 0.0.44.dev20260713+nightly
codegen_flags: <defaults>
</compile_context>

<pallas_src>
import functools

import jax
import jax.numpy as jnp
from jax import lax
from jax.experimental import pallas as pl
from jax.experimental.pallas import tpu as pltpu
from jax.experimental.pallas import tpu_sc as plsc

S = 8192
D = 2048
E = 64
CAP = 128
BAL = 0.01
BS = 2048
NBLK = S // BS
SUB = 512

OUT_PAD = 8704
TRASH = S


HD = D // 2


def _issue(x_hbm, xbuf, sems, blk, slot):
    for h in range(2):
        pltpu.make_async_copy(
            x_hbm.at[pl.ds(blk * BS, BS), pl.ds(h * HD, HD)],
            xbuf.at[slot, :, pl.ds(h * HD, HD)],
            sems.at[slot, h],
        ).start()


def _tc_body(x_hbm, wg_ref, comb_ref, fi_ref, laux_ref, xbuf, sems,
             counts_ref, me_ref):
    i = pl.program_id(0)

    @pl.when(i == 0)
    def _():
        counts_ref[...] = jnp.zeros_like(counts_ref)
        me_ref[...] = jnp.zeros_like(me_ref)
        _issue(x_hbm, xbuf, sems, 0, 0)

    @pl.when((i % 2 == 0) & (i < NBLK - 1))
    def _():
        _issue(x_hbm, xbuf, sems, i + 1, 1)

    @pl.when((i % 2 == 1) & (i < NBLK - 1))
    def _():
        _issue(x_hbm, xbuf, sems, i + 1, 0)

    @pl.when(i % 2 == 0)
    def _():
        _step(i, 0, x_hbm, wg_ref, comb_ref, fi_ref, laux_ref, xbuf, sems,
              counts_ref, me_ref)

    @pl.when(i % 2 == 1)
    def _():
        _step(i, 1, x_hbm, wg_ref, comb_ref, fi_ref, laux_ref, xbuf, sems,
              counts_ref, me_ref)


def _step(i, slot, x_hbm, wg_ref, comb_ref, fi_ref, laux_ref, xbuf, sems,
          counts_ref, me_ref):
    for h in range(2):
        pltpu.make_async_copy(
            x_hbm.at[pl.ds(i * BS, BS), pl.ds(h * HD, HD)],
            xbuf.at[slot, :, pl.ds(h * HD, HD)],
            sems.at[slot, h],
        ).wait()

    logits = jnp.dot(
        xbuf[slot, :, :HD], wg_ref[:HD], preferred_element_type=jnp.float32
    ) + jnp.dot(
        xbuf[slot, :, HD:], wg_ref[HD:], preferred_element_type=jnp.float32
    )

    m = jnp.max(logits, axis=1, keepdims=True)
    e_iota = lax.broadcasted_iota(jnp.int32, (BS, E), 1)
    idx = jnp.min(jnp.where(logits == m, e_iota, E), axis=1, keepdims=True)
    oh = (e_iota == idx).astype(jnp.float32)

    p = jnp.exp(logits - m)
    gates = p / jnp.sum(p, axis=1, keepdims=True)

    r_iota = lax.broadcasted_iota(jnp.int32, (SUB, SUB), 0)
    c_iota = lax.broadcasted_iota(jnp.int32, (SUB, SUB), 1)
    tri = (c_iota <= r_iota).astype(jnp.float32)

    off = counts_ref[...]
    parts = []
    for j in range(BS // SUB):
        oh_j = oh[j * SUB : (j + 1) * SUB]
        parts.append(
            jnp.dot(tri, oh_j, preferred_element_type=jnp.float32) + off
        )
        off = off + jnp.sum(oh_j, axis=0, keepdims=True)
    csum = jnp.concatenate(parts, axis=0)

    pos_f = jnp.sum((csum - 1.0) * oh, axis=1, keepdims=True)
    pos = jnp.floor(pos_f + 0.5).astype(jnp.int32)
    keep = pos < CAP

    gate_val = jnp.sum(gates * oh, axis=1, keepdims=True)
    comb_ref[...] = jnp.where(keep, gate_val, 0.0) * oh

    fi = jnp.where(keep, idx * CAP + pos, TRASH)
    fi_ref[...] = fi.reshape(BS // CAP, CAP)

    counts_ref[...] = off
    me_ref[...] = me_ref[...] + jnp.sum(gates, axis=0, keepdims=True)

    @pl.when(i == NBLK - 1)
    def _():
        laux_ref[0, 0] = jnp.sum(me_ref[...] * counts_ref[...]) * (
            E * BAL / (S * S)
        )


_tc_gate = pl.pallas_call(
    _tc_body,
    grid=(NBLK,),
    compiler_params=pltpu.CompilerParams(vmem_limit_bytes=100 * 2**20),
    in_specs=[
        pl.BlockSpec(memory_space=pltpu.MemorySpace.HBM),
        pl.BlockSpec((D, E), lambda i: (0, 0)),
    ],
    out_specs=[
        pl.BlockSpec((BS, E), lambda i: (i, 0)),
        pl.BlockSpec((BS // CAP, CAP), lambda i: (i, 0)),
        pl.BlockSpec((1, 1), lambda i: (0, 0), memory_space=pltpu.SMEM),
    ],
    out_shape=[
        jax.ShapeDtypeStruct((S, E), jnp.float32),
        jax.ShapeDtypeStruct((E, CAP), jnp.int32),
        jax.ShapeDtypeStruct((1, 1), jnp.float32),
    ],
    scratch_shapes=[
        pltpu.VMEM((2, BS, D), jnp.float32),
        pltpu.SemaphoreType.DMA((2, 2)),
        pltpu.VMEM((1, E), jnp.float32),
        pltpu.VMEM((1, E), jnp.float32),
    ],
)


def _sc_body(fi_hbm, out_hbm, idx_v, vals_v, neg_v, shared, sem, sem2):
    c = lax.axis_index("c")
    s = lax.axis_index("s")

    @pl.when(c == 0)
    def _init():
        idx_cp = pltpu.async_copy(fi_hbm.at[pl.ds(s * 4, 4)], idx_v, sem2)
        iota16 = lax.broadcasted_iota(jnp.int32, (16,), 0)
        for j in range(4):
            for k in range(8):
                vals_v[j, pl.ds(k * 16, 16)] = iota16 + (
                    s * 512 + j * 128 + k * 16
                )

        def fill(k, carry):
            neg_v[pl.ds(k * 16, 16)] = jnp.full((16,), -1, jnp.int32)
            return carry

        lax.fori_loop(0, 34, fill, 0)
        pltpu.sync_copy(neg_v, shared.at[pl.ds(s * 544, 544)])
        idx_cp.wait()

    plsc.subcore_barrier()

    @pl.when(c == 0)
    def _scatter():
        handles = [
            pltpu.async_copy(vals_v.at[j], shared.at[idx_v.at[j]], sem)
            for j in range(4)
        ]
        for h in handles:
            h.wait()

    plsc.subcore_barrier()

    @pl.when(c == 0)
    def _writeout():
        pltpu.sync_copy(shared.at[pl.ds(s * 544, 544)], neg_v)
        pltpu.sync_copy(neg_v, out_hbm.at[pl.ds(s * 544, 544)])


@functools.cache
def _get_sc_scatter():
    return pl.kernel(
        _sc_body,
        out_type=jax.ShapeDtypeStruct((OUT_PAD,), jnp.int32),
        mesh=plsc.VectorSubcoreMesh(core_axis_name="c", subcore_axis_name="s"),
        scratch_types=[
            pltpu.VMEM((4, 128), jnp.int32),
            pltpu.VMEM((4, 128), jnp.int32),
            pltpu.VMEM((544,), jnp.int32),
            pltpu.VMEM_SHARED((OUT_PAD,), jnp.int32),
            pltpu.SemaphoreType.DMA,
            pltpu.SemaphoreType.DMA,
        ],
    )


def kernel(input, wg):
    combine, fi, laux = _tc_gate(input, wg)
    flat = _get_sc_scatter()(fi)
    dispatch_mask = flat[:S].reshape(E, CAP)
    return (laux[0, 0], combine, dispatch_mask)

# --- scband reference (transcript-rebuilt; emitter-appended) ---
"""Pipeline reference for scband-top-kgate-83554293776536 (READ-ONLY COPY).

The authoritative reference and input builder live on the scoring server;
editing this copy changes nothing except your own understanding.
"""

import jax, jax.numpy as jnp
import numpy as np
import math

S, D, E = 8192, 2048, 64
CAPACITY_FACTOR = 1.0
BALANCE_RATIO = 0.01


def setup_inputs(seed: int = 0) -> dict:
    key = jax.random.key(seed)
    k1, k2 = jax.random.split(key)
    x = jax.random.normal(k1, (S, D), dtype=jnp.float32)
    wg = jax.random.normal(k2, (D, E), dtype=jnp.float32) * 0.02
    return {"input": x, "wg": wg}


def reference(input, wg):
    # gate projection: logits = einsum('sm,me->se')
    logits = jnp.dot(input, wg)
    gates = jax.nn.softmax(logits, axis=1)
    num_tokens, num_experts = gates.shape

    capacity_fp = max(min(num_tokens, num_tokens / num_experts * CAPACITY_FACTOR), 4)
    capacity = math.ceil(capacity_fp)

    # top-1 expert assignment
    indices_s = jnp.argmax(gates, axis=1)
    mask1 = jax.nn.one_hot(indices_s, num_experts, dtype=jnp.int64)

    # load-balance statistics (ce computed BEFORE capacity drop, matching source)
    me = jnp.sum(gates, axis=0) / num_tokens
    ce = jnp.sum(mask1.astype(jnp.float32), axis=0) / num_tokens
    l_aux = jnp.sum(me * ce) * num_experts * BALANCE_RATIO

    # positions within each expert (cumsum - 1), then 'cut' token drop
    locations1 = jnp.cumsum(mask1, axis=0) - 1
    mask1 = mask1 * (locations1 < capacity).astype(jnp.int64)
    locations1_s = jnp.sum(locations1 * mask1, axis=1)

    # combine weights: gate prob of kept tokens scattered back onto expert dim
    gates1_s = jnp.sum(gates * mask1.astype(gates.dtype), axis=1)
    combine = gates1_s[:, None] * mask1.astype(gates.dtype)

    # dispatch mask: [num_experts, capacity] of source token ids, -1 for empty slot
    indices = jnp.arange(num_tokens, dtype=jnp.int64)
    mask_sum = jnp.sum(mask1, axis=1)
    dispatch_indices = jnp.where(mask_sum == 0, -1, indices_s * capacity + locations1_s)
    dispatch_flat = jnp.full((num_experts * capacity + 1,), -1, dtype=jnp.int64)
    dispatch_flat = dispatch_flat.at[dispatch_indices].set(indices)
    dispatch_mask = dispatch_flat[:-1].reshape(num_experts, capacity)

    return (l_aux, combine, dispatch_mask)

if __name__ == "__main__":
    import jax
    _d = setup_inputs()
    print(jax.jit(kernel)(*tuple(_d.values())))

</pallas_src>

<mosaic_0001>
#map = affine_map<(d0, d1) -> (0, 0)>
#map1 = affine_map<(d0, d1) -> (0)>
module attributes {stable_mosaic.version = 14 : i64} {
  func.func @_sc_body(%arg0: i32, %arg1: i32, %arg2: memref<64x128xi32, #tpu.memory_space<hbm>>, %arg3: memref<8704xi32, #tpu.memory_space<hbm>>, %arg4: memref<4x128xi32, #tpu.memory_space<vmem>>, %arg5: memref<4x128xi32, #tpu.memory_space<vmem>>, %arg6: memref<544xi32, #tpu.memory_space<vmem>>, %arg7: memref<8704xi32, #tpu.memory_space<vmem_shared>>, %arg8: memref<!tpu.dma_semaphore, #tpu.memory_space<semaphore_mem>>, %arg9: memref<!tpu.dma_semaphore, #tpu.memory_space<semaphore_mem>>) attributes {dimension_semantics = [#tpu.dimension_semantics<core_parallel>, #tpu.dimension_semantics<subcore_parallel>], iteration_bounds = array<i64: 2, 16>, scalar_prefetch = 0 : i64, scratch_operands = 6 : i64, tpu.core_type = #tpu.core_type<sc_vector_subcore>, window_params = [{transform_indices = #map}, {transform_indices = #map1}]} {
    %eq3A = arith.constant 0 : i32
    %eq3A_0 = arith.cmpi eq, %arg0, %eq3A : i32
    %convert_element_type3A = arith.extui %eq3A_0 : i1 to i32
    %cond3A = arith.constant 0 : i32
    %cond3A_1 = arith.cmpi ne, %convert_element_type3A, %cond3A : i32
    scf.if %cond3A_1 {
      %mul3A = arith.constant 4 : i32
      %mul3A_13 = arith.muli %arg1, %mul3A : i32
      %dma_start3A = arith.constant 0 : i32
      %dma_start3A_14 = tpu.memref_slice %arg2[%mul3A_13, %dma_start3A] : memref<64x128xi32, #tpu.memory_space<hbm>> -> memref<4x128xi32, #tpu.memory_space<hbm>>
      %dma_start3A_15 = arith.constant 0 : i32
      %dma_start3A_16 = tpu.memref_slice %arg2[%mul3A_13, %dma_start3A_15] : memref<64x128xi32, #tpu.memory_space<hbm>> -> memref<4x128xi32, #tpu.memory_space<hbm>>
      tpu.enqueue_dma source(%dma_start3A_16 : memref<4x128xi32, #tpu.memory_space<hbm>>) target(%arg4 : memref<4x128xi32, #tpu.memory_space<vmem>>) target_semaphore(%arg9 : memref<!tpu.dma_semaphore, #tpu.memory_space<semaphore_mem>>)
      %iota3A = tpu.iota {dimensions = array<i32: 0>} : vector<16xi32>
      %mul3A_17 = arith.constant 512 : i32
      %mul3A_18 = arith.muli %arg1, %mul3A_17 : i32
      %add3A = arith.constant 0 : i32
      %add3A_19 = arith.addi %mul3A_18, %add3A : i32
      %add3A_20 = arith.constant 0 : i32
      %add3A_21 = arith.addi %add3A_19, %add3A_20 : i32
      %add3A_22 = vector.broadcast %add3A_21 : i32 to vector<16xi32>
      %add3A_23 = arith.addi %iota3A, %add3A_22 : vector<16xi32>
      %swap3A = arith.constant 0 : i32
      %swap3A_24 = arith.index_cast %swap3A : i32 to index
      %swap3A_25 = arith.constant 0 : index
      %swap3A_26 = tpu.vector_load %arg5[%swap3A_24, %swap3A_25] {strides = array<i32>} : memref<4x128xi32, #tpu.memory_space<vmem>>, vector<1x16xi32>,
      %swap3A_27 = vector.shape_cast %swap3A_26 : vector<1x16xi32> to vector<16xi32>
      %swap3A_28 = vector.shape_cast %add3A_23 : vector<16xi32> to vector<1x16xi32>
      tpu.vector_store %arg5[%swap3A_24, %swap3A_25], %swap3A_28 {strides = array<i32>} : memref<4x128xi32, #tpu.memory_space<vmem>>, vector<1x16xi32>,
      %mul3A_29 = arith.constant 512 : i32
      %mul3A_30 = arith.muli %arg1, %mul3A_29 : i32
      %add3A_31 = arith.constant 0 : i32
      %add3A_32 = arith.addi %mul3A_30, %add3A_31 : i32
      %add3A_33 = arith.constant 16 : i32
      %add3A_34 = arith.addi %add3A_32, %add3A_33 : i32
      %add3A_35 = vector.broadcast %add3A_34 : i32 to vector<16xi32>
      %add3A_36 = arith.addi %iota3A, %add3A_35 : vector<16xi32>
      %swap3A_37 = arith.constant 0 : i32
      %swap3A_38 = arith.index_cast %swap3A_37 : i32 to index
      %swap3A_39 = arith.constant 16 : index
      %swap3A_40 = tpu.vector_load %arg5[%swap3A_38, %swap3A_39] {strides = array<i32>} : memref<4x128xi32, #tpu.memory_space<vmem>>, vector<1x16xi32>,
      %swap3A_41 = vector.shape_cast %swap3A_40 : vector<1x16xi32> to vector<16xi32>
      %swap3A_42 = vector.shape_cast %add3A_36 : vector<16xi32> to vector<1x16xi32>
      tpu.vector_store %arg5[%swap3A_38, %swap3A_39], %swap3A_42 {strides = array<i32>} : memref<4x128xi32, #tpu.memory_space<vmem>>, vector<1x16xi32>,
      %mul3A_43 = arith.constant 512 : i32
      %mul3A_44 = arith.muli %arg1, %mul3A_43 : i32
      %add3A_45 = arith.constant 0 : i32
      %add3A_46 = arith.addi %mul3A_44, %add3A_45 : i32
      %add3A_47 = arith.constant 32 : i32
      %add3A_48 = arith.addi %add3A_46, %add3A_47 : i32
      %add3A_49 = vector.broadcast %add3A_48 : i32 to vector<16xi32>
      %add3A_50 = arith.addi %iota3A, %add3A_49 : vector<16xi32>
      %swap3A_51 = arith.constant 0 : i32
      %swap3A_52 = arith.index_cast %swap3A_51 : i32 to index
      %swap3A_53 = arith.constant 32 : index
      %swap3A_54 = tpu.vector_load %arg5[%swap3A_52, %swap3A_53] {strides = array<i32>} : memref<4x128xi32, #tpu.memory_space<vmem>>, vector<1x16xi32>,
      %swap3A_55 = vector.shape_cast %swap3A_54 : vector<1x16xi32> to vector<16xi32>
      %swap3A_56 = vector.shape_cast %add3A_50 : vector<16xi32> to vector<1x16xi32>
      tpu.vector_store %arg5[%swap3A_52, %swap3A_53], %swap3A_56 {strides = array<i32>} : memref<4x128xi32, #tpu.memory_space<vmem>>, vector<1x16xi32>,
      %mul3A_57 = arith.constant 512 : i32
      %mul3A_58 = arith.muli %arg1, %mul3A_57 : i32
      %add3A_59 = arith.constant 0 : i32
      %add3A_60 = arith.addi %mul3A_58, %add3A_59 : i32
      %add3A_61 = arith.constant 48 : i32
      %add3A_62 = arith.addi %add3A_60, %add3A_61 : i32
      %add3A_63 = vector.broadcast %add3A_62 : i32 to vector<16xi32>
      %add3A_64 = arith.addi %iota3A, %add3A_63 : vector<16xi32>
      %swap3A_65 = arith.constant 0 : i32
      %swap3A_66 = arith.index_cast %swap3A_65 : i32 to index
      %swap3A_67 = arith.constant 48 : index
      %swap3A_68 = tpu.vector_load %arg5[%swap3A_66, %swap3A_67] {strides = array<i32>} : memref<4x128xi32, #tpu.memory_space<vmem>>, vector<1x16xi32>,
      %swap3A_69 = vector.shape_cast %swap3A_68 : vector<1x16xi32> to vector<16xi32>
      %swap3A_70 = vector.shape_cast %add3A_64 : vector<16xi32> to vector<1x16xi32>
      tpu.vector_store %arg5[%swap3A_66, %swap3A_67], %swap3A_70 {strides = array<i32>} : memref<4x128xi32, #tpu.memory_space<vmem>>, vector<1x16xi32>,
      %mul3A_71 = arith.constant 512 : i32
      %mul3A_72 = arith.muli %arg1, %mul3A_71 : i32
      %add3A_73 = arith.constant 0 : i32
      %add3A_74 = arith.addi %mul3A_72, %add3A_73 : i32
      %add3A_75 = arith.constant 64 : i32
      %add3A_76 = arith.addi %add3A_74, %add3A_75 : i32
      %add3A_77 = vector.broadcast %add3A_76 : i32 to vector<16xi32>
      %add3A_78 = arith.addi %iota3A, %add3A_77 : vector<16xi32>
      %swap3A_79 = arith.constant 0 : i32
      %swap3A_80 = arith.index_cast %swap3A_79 : i32 to index
      %swap3A_81 = arith.constant 64 : index
      %swap3A_82 = tpu.vector_load %arg5[%swap3A_80, %swap3A_81] {strides = array<i32>} : memref<4x128xi32, #tpu.memory_space<vmem>>, vector<1x16xi32>,
      %swap3A_83 = vector.shape_cast %swap3A_82 : vector<1x16xi32> to vector<16xi32>
      %swap3A_84 = vector.shape_cast %add3A_78 : vector<16xi32> to vector<1x16xi32>
      tpu.vector_store %arg5[%swap3A_80, %swap3A_81], %swap3A_84 {strides = array<i32>} : memref<4x128xi32, #tpu.memory_space<vmem>>, vector<1x16xi32>,
      %mul3A_85 = arith.constant 512 : i32
      %mul3A_86 = arith.muli %arg1, %mul3A_85 : i32
      %add3A_87 = arith.constant 0 : i32
      %add3A_88 = arith.addi %mul3A_86, %add3A_87 : i32
      %add3A_89 = arith.constant 80 : i32
      %add3A_90 = arith.addi %add3A_88, %add3A_89 : i32
      %add3A_91 = vector.broadcast %add3A_90 : i32 to vector<16xi32>
      %add3A_92 = arith.addi %iota3A, %add3A_91 : vector<16xi32>
      %swap3A_93 = arith.constant 0 : i32
      %swap3A_94 = arith.index_cast %swap3A_93 : i32 to index
      %swap3A_95 = arith.constant 80 : index
      %swap3A_96 = tpu.vector_load %arg5[%swap3A_94, %swap3A_95] {strides = array<i32>} : memref<4x128xi32, #tpu.memory_space<vmem>>, vector<1x16xi32>,
      %swap3A_97 = vector.shape_cast %swap3A_96 : vector<1x16xi32> to vector<16xi32>
      %swap3A_98 = vector.shape_cast %add3A_92 : vector<16xi32> to vector<1x16xi32>
      tpu.vector_store %arg5[%swap3A_94, %swap3A_95], %swap3A_98 {strides = array<i32>} : memref<4x128xi32, #tpu.memory_space<vmem>>, vector<1x16xi32>,
      %mul3A_99 = arith.constant 512 : i32
      %mul3A_100 = arith.muli %arg1, %mul3A_99 : i32
      %add3A_101 = arith.constant 0 : i32
      %add3A_102 = arith.addi %mul3A_100, %add3A_101 : i32
      %add3A_103 = arith.constant 96 : i32
      %add3A_104 = arith.addi %add3A_102, %add3A_103 : i32
      %add3A_105 = vector.broadcast %add3A_104 : i32 to vector<16xi32>
      %add3A_106 = arith.addi %iota3A, %add3A_105 : vector<16xi32>
      %swap3A_107 = arith.constant 0 : i32
      %swap3A_108 = arith.index_cast %swap3A_107 : i32 to index
      %swap3A_109 = arith.constant 96 : index
      %swap3A_110 = tpu.vector_load %arg5[%swap3A_108, %swap3A_109] {strides = array<i32>} : memref<4x128xi32, #tpu.memory_space<vmem>>, vector<1x16xi32>,
      %swap3A_111 = vector.shape_cast %swap3A_110 : vector<1x16xi32> to vector<16xi32>
      %swap3A_112 = vector.shape_cast %add3A_106 : vector<16xi32> to vector<1x16xi32>
      tpu.vector_store %arg5[%swap3A_108, %swap3A_109], %swap3A_112 {strides = array<i32>} : memref<4x128xi32, #tpu.memory_space<vmem>>, vector<1x16xi32>,
      %mul3A_113 = arith.constant 512 : i32
      %mul3A_114 = arith.muli %arg1, %mul3A_113 : i32
      %add3A_115 = arith.constant 0 : i32
      %add3A_116 = arith.addi %mul3A_114, %add3A_115 : i32
      %add3A_117 = arith.constant 112 : i32
      %add3A_118 = arith.addi %add3A_116, %add3A_117 : i32
      %add3A_119 = vector.broadcast %add3A_118 : i32 to vector<16xi32>
      %add3A_120 = arith.addi %iota3A, %add3A_119 : vector<16xi32>
      %swap3A_121 = arith.constant 0 : i32
      %swap3A_122 = arith.index_cast %swap3A_121 : i32 to index
      %swap3A_123 = arith.constant 112 : index
      %swap3A_124 = tpu.vector_load %arg5[%swap3A_122, %swap3A_123] {strides = array<i32>} : memref<4x128xi32, #tpu.memory_space<vmem>>, vector<1x16xi32>,
      %swap3A_125 = vector.shape_cast %swap3A_124 : vector<1x16xi32> to vector<16xi32>
      %swap3A_126 = vector.shape_cast %add3A_120 : vector<16xi32> to vector<1x16xi32>
      tpu.vector_store %arg5[%swap3A_122, %swap3A_123], %swap3A_126 {strides = array<i32>} : memref<4x128xi32, #tpu.memory_space<vmem>>, vector<1x16xi32>,
      %mul3A_127 = arith.constant 512 : i32
      %mul3A_128 = arith.muli %arg1, %mul3A_127 : i32
      %add3A_129 = arith.constant 128 : i32
      %add3A_130 = arith.addi %mul3A_128, %add3A_129 : i32
      %add3A_131 = arith.constant 0 : i32
      %add3A_132 = arith.addi %add3A_130, %add3A_131 : i32
      %add3A_133 = vector.broadcast %add3A_132 : i32 to vector<16xi32>
      %add3A_134 = arith.addi %iota3A, %add3A_133 : vector<16xi32>
      %swap3A_135 = arith.constant 1 : i32
      %swap3A_136 = arith.index_cast %swap3A_135 : i32 to index
      %swap3A_137 = arith.constant 0 : index
      %swap3A_138 = tpu.vector_load %arg5[%swap3A_136, %swap3A_137] {strides = array<i32>} : memref<4x128xi32, #tpu.memory_space<vmem>>, vector<1x16xi32>,
      %swap3A_139 = vector.shape_cast %swap3A_138 : vector<1x16xi32> to vector<16xi32>
      %swap3A_140 = vector.shape_cast %add3A_134 : vector<16xi32> to vector<1x16xi32>
      tpu.vector_store %arg5[%swap3A_136, %swap3A_137], %swap3A_140 {strides = array<i32>} : memref<4x128xi32, #tpu.memory_space<vmem>>, vector<1x16xi32>,
      %mul3A_141 = arith.constant 512 : i32
      %mul3A_142 = arith.muli %arg1, %mul3A_141 : i32
      %add3A_143 = arith.constant 128 : i32
      %add3A_144 = arith.addi %mul3A_142, %add3A_143 : i32
      %add3A_145 = arith.constant 16 : i32
      %add3A_146 = arith.addi %add3A_144, %add3A_145 : i32
      %add3A_147 = vector.broadcast %add3A_146 : i32 to vector<16xi32>
      %add3A_148 = arith.addi %iota3A, %add3A_147 : vector<16xi32>
      %swap3A_149 = arith.constant 1 : i32
      %swap3A_150 = arith.index_cast %swap3A_149 : i32 to index
      %swap3A_151 = arith.constant 16 : index
      %swap3A_152 = tpu.vector_load %arg5[%swap3A_150, %swap3A_151] {strides = array<i32>} : memref<4x128xi32, #tpu.memory_space<vmem>>, vector<1x16xi32>,
      %swap3A_153 = vector.shape_cast %swap3A_152 : vector<1x16xi32> to vector<16xi32>
      %swap3A_154 = vector.shape_cast %add3A_148 : vector<16xi32> to vector<1x16xi32>
      tpu.vector_store %arg5[%swap3A_150, %swap3A_151], %swap3A_154 {strides = array<i32>} : memref<4x128xi32, #tpu.memory_space<vmem>>, vector<1x16xi32>,
      %mul3A_155 = arith.constant 512 : i32
      %mul3A_156 = arith.muli %arg1, %mul3A_155 : i32
      %add3A_157 = arith.constant 128 : i32
      %add3A_158 = arith.addi %mul3A_156, %add3A_157 : i32
      %add3A_159 = arith.constant 32 : i32
      %add3A_160 = arith.addi %add3A_158, %add3A_159 : i32
      %add3A_161 = vector.broadcast %add3A_160 : i32 to vector<16xi32>
      %add3A_162 = arith.addi %iota3A, %add3A_161 : vector<16xi32>
      %swap3A_163 = arith.constant 1 : i32
      %swap3A_164 = arith.index_cast %swap3A_163 : i32 to index
      %swap3A_165 = arith.constant 32 : index
      %swap3A_166 = tpu.vector_load %arg5[%swap3A_164, %swap3A_165] {strides = array<i32>} : memref<4x128xi32, #tpu.memory_space<vmem>>, vector<1x16xi32>,
      %swap3A_167 = vector.shape_cast %swap3A_166 : vector<1x16xi32> to vector<16xi32>
      %swap3A_168 = vector.shape_cast %add3A_162 : vector<16xi32> to vector<1x16xi32>
      tpu.vector_store %arg5[%swap3A_164, %swap3A_165], %swap3A_168 {strides = array<i32>} : memref<4x128xi32, #tpu.memory_space<vmem>>, vector<1x16xi32>,
      %mul3A_169 = arith.constant 512 : i32
      %mul3A_170 = arith.muli %arg1, %mul3A_169 : i32
      %add3A_171 = arith.constant 128 : i32
      %add3A_172 = arith.addi %mul3A_170, %add3A_171 : i32
      %add3A_173 = arith.constant 48 : i32
      %add3A_174 = arith.addi %add3A_172, %add3A_173 : i32
      %add3A_175 = vector.broadcast %add3A_174 : i32 to vector<16xi32>
      %add3A_176 = arith.addi %iota3A, %add3A_175 : vector<16xi32>
      %swap3A_177 = arith.constant 1 : i32
      %swap3A_178 = arith.index_cast %swap3A_177 : i32 to index
      %swap3A_179 = arith.constant 48 : index
      %swap3A_180 = tpu.vector_load %arg5[%swap3A_178, %swap3A_179] {strides = array<i32>} : memref<4x128xi32, #tpu.memory_space<vmem>>, vector<1x16xi32>,
      %swap3A_181 = vector.shape_cast %swap3A_180 : vector<1x16xi32> to vector<16xi32>
      %swap3A_182 = vector.shape_cast %add3A_176 : vector<16xi32> to vector<1x16xi32>
      tpu.vector_store %arg5[%swap3A_178, %swap3A_179], %swap3A_182 {strides = array<i32>} : memref<4x128xi32, #tpu.memory_space<vmem>>, vector<1x16xi32>,
      %mul3A_183 = arith.constant 512 : i32
      %mul3A_184 = arith.muli %arg1, %mul3A_183 : i32
      %add3A_185 = arith.constant 128 : i32
      %add3A_186 = arith.addi %mul3A_184, %add3A_185 : i32
      %add3A_187 = arith.constant 64 : i32
      %add3A_188 = arith.addi %add3A_186, %add3A_187 : i32
      %add3A_189 = vector.broadcast %add3A_188 : i32 to vector<16xi32>
      %add3A_190 = arith.addi %iota3A, %add3A_189 : vector<16xi32>
      %swap3A_191 = arith.constant 1 : i32
      %swap3A_192 = arith.index_cast %swap3A_191 : i32 to index
      %swap3A_193 = arith.constant 64 : index
      %swap3A_194 = tpu.vector_load %arg5[%swap3A_192, %swap3A_193] {strides = array<i32>} : memref<4x128xi32, #tpu.memory_space<vmem>>, vector<1x16xi32>,
      %swap3A_195 = vector.shape_cast %swap3A_194 : vector<1x16xi32> to vector<16xi32>
      %swap3A_196 = vector.shape_cast %add3A_190 : vector<16xi32> to vector<1x16xi32>
      tpu.vector_store %arg5[%swap3A_192, %swap3A_193], %swap3A_196 {strides = array<i32>} : memref<4x128xi32, #tpu.memory_space<vmem>>, vector<1x16xi32>,
      %mul3A_197 = arith.constant 512 : i32
      %mul3A_198 = arith.muli %arg1, %mul3A_197 : i32
      %add3A_199 = arith.constant 128 : i32
      %add3A_200 = arith.addi %mul3A_198, %add3A_199 : i32
      %add3A_201 = arith.constant 80 : i32
      %add3A_202 = arith.addi %add3A_200, %add3A_201 : i32
      %add3A_203 = vector.broadcast %add3A_202 : i32 to vector<16xi32>
      %add3A_204 = arith.addi %iota3A, %add3A_203 : vector<16xi32>
      %swap3A_205 = arith.constant 1 : i32
      %swap3A_206 = arith.index_cast %swap3A_205 : i32 to index
      %swap3A_207 = arith.constant 80 : index
      %swap3A_208 = tpu.vector_load %arg5[%swap3A_206, %swap3A_207] {strides = array<i32>} : memref<4x128xi32, #tpu.memory_space<vmem>>, vector<1x16xi32>,
      %swap3A_209 = vector.shape_cast %swap3A_208 : vector<1x16xi32> to vector<16xi32>
      %swap3A_210 = vector.shape_cast %add3A_204 : vector<16xi32> to vector<1x16xi32>
      tpu.vector_store %arg5[%swap3A_206, %swap3A_207], %swap3A_210 {strides = array<i32>} : memref<4x128xi32, #tpu.memory_space<vmem>>, vector<1x16xi32>,
      %mul3A_211 = arith.constant 512 : i32
      %mul3A_212 = arith.muli %arg1, %mul3A_211 : i32
      %add3A_213 = arith.constant 128 : i32
      %add3A_214 = arith.addi %mul3A_212, %add3A_213 : i32
      %add3A_215 = arith.constant 96 : i32
      %add3A_216 = arith.addi %add3A_214, %add3A_215 : i32
      %add3A_217 = vector.broadcast %add3A_216 : i32 to vector<16xi32>
      %add3A_218 = arith.addi %iota3A, %add3A_217 : vector<16xi32>
      %swap3A_219 = arith.constant 1 : i32
      %swap3A_220 = arith.index_cast %swap3A_219 : i32 to index
      %swap3A_221 = arith.constant 96 : index
      %swap3A_222 = tpu.vector_load %arg5[%swap3A_220, %swap3A_221] {strides = array<i32>} : memref<4x128xi32, #tpu.memory_space<vmem>>, vector<1x16xi32>,
      %swap3A_223 = vector.shape_cast %swap3A_222 : vector<1x16xi32> to vector<16xi32>
      %swap3A_224 = vector.shape_cast %add3A_218 : vector<16xi32> to vector<1x16xi32>
      tpu.vector_store %arg5[%swap3A_220, %swap3A_221], %swap3A_224 {strides = array<i32>} : memref<4x128xi32, #tpu.memory_space<vmem>>, vector<1x16xi32>,
      %mul3A_225 = arith.constant 512 : i32
      %mul3A_226 = arith.muli %arg1, %mul3A_225 : i32
      %add3A_227 = arith.constant 128 : i32
      %add3A_228 = arith.addi %mul3A_226, %add3A_227 : i32
      %add3A_229 = arith.constant 112 : i32
      %add3A_230 = arith.addi %add3A_228, %add3A_229 : i32
      %add3A_231 = vector.broadcast %add3A_230 : i32 to vector<16xi32>
      %add3A_232 = arith.addi %iota3A, %add3A_231 : vector<16xi32>
      %swap3A_233 = arith.constant 1 : i32
      %swap3A_234 = arith.index_cast %swap3A_233 : i32 to index
      %swap3A_235 = arith.constant 112 : index
      %swap3A_236 = tpu.vector_load %arg5[%swap3A_234, %swap3A_235] {strides = array<i32>} : memref<4x128xi32, #tpu.memory_space<vmem>>, vector<1x16xi32>,
      %swap3A_237 = vector.shape_cast %swap3A_236 : vector<1x16xi32> to vector<16xi32>
      %swap3A_238 = vector.shape_cast %add3A_232 : vector<16xi32> to vector<1x16xi32>
      tpu.vector_store %arg5[%swap3A_234, %swap3A_235], %swap3A_238 {strides = array<i32>} : memref<4x128xi32, #tpu.memory_space<vmem>>, vector<1x16xi32>,
      %mul3A_239 = arith.constant 512 : i32
      %mul3A_240 = arith.muli %arg1, %mul3A_239 : i32
      %add3A_241 = arith.constant 256 : i32
      %add3A_242 = arith.addi %mul3A_240, %add3A_241 : i32
      %add3A_243 = arith.constant 0 : i32
      %add3A_244 = arith.addi %add3A_242, %add3A_243 : i32
      %add3A_245 = vector.broadcast %add3A_244 : i32 to vector<16xi32>
      %add3A_246 = arith.addi %iota3A, %add3A_245 : vector<16xi32>
      %swap3A_247 = arith.constant 2 : i32
      %swap3A_248 = arith.index_cast %swap3A_247 : i32 to index
      %swap3A_249 = arith.constant 0 : index
      %swap3A_250 = tpu.vector_load %arg5[%swap3A_248, %swap3A_249] {strides = array<i32>} : memref<4x128xi32, #tpu.memory_space<vmem>>, vector<1x16xi32>,
      %swap3A_251 = vector.shape_cast %swap3A_250 : vector<1x16xi32> to vector<16xi32>
      %swap3A_252 = vector.shape_cast %add3A_246 : vector<16xi32> to vector<1x16xi32>
      tpu.vector_store %arg5[%swap3A_248, %swap3A_249], %swap3A_252 {strides = array<i32>} : memref<4x128xi32, #tpu.memory_space<vmem>>, vector<1x16xi32>,
      %mul3A_253 = arith.constant 512 : i32
      %mul3A_254 = arith.muli %arg1, %mul3A_253 : i32
      %add3A_255 = arith.constant 256 : i32
      %add3A_256 = arith.addi %mul3A_254, %add3A_255 : i32
      %add3A_257 = arith.constant 16 : i32
      %add3A_258 = arith.addi %add3A_256, %add3A_257 : i32
      %add3A_259 = vector.broadcast %add3A_258 : i32 to vector<16xi32>
      %add3A_260 = arith.addi %iota3A, %add3A_259 : vector<16xi32>
      %swap3A_261 = arith.constant 2 : i32
      %swap3A_262 = arith.index_cast %swap3A_261 : i32 to index
      %swap3A_263 = arith.constant 16 : index
      %swap3A_264 = tpu.vector_load %arg5[%swap3A_262, %swap3A_263] {strides = array<i32>} : memref<4x128xi32, #tpu.memory_space<vmem>>, vector<1x16xi32>,
      %swap3A_265 = vector.shape_cast %swap3A_264 : vector<1x16xi32> to vector<16xi32>
      %swap3A_266 = vector.shape_cast %add3A_260 : vector<16xi32> to vector<1x16xi32>
      tpu.vector_store %arg5[%swap3A_262, %swap3A_263], %swap3A_266 {strides = array<i32>} : memref<4x128xi32, #tpu.memory_space<vmem>>, vector<1x16xi32>,
      %mul3A_267 = arith.constant 512 : i32
      %mul3A_268 = arith.muli %arg1, %mul3A_267 : i32
      %add3A_269 = arith.constant 256 : i32
      %add3A_270 = arith.addi %mul3A_268, %add3A_269 : i32
      %add3A_271 = arith.constant 32 : i32
      %add3A_272 = arith.addi %add3A_270, %add3A_271 : i32
      %add3A_273 = vector.broadcast %add3A_272 : i32 to vector<16xi32>
      %add3A_274 = arith.addi %iota3A, %add3A_273 : vector<16xi32>
      %swap3A_275 = arith.constant 2 : i32
      %swap3A_276 = arith.index_cast %swap3A_275 : i32 to index
      %swap3A_277 = arith.constant 32 : index
      %swap3A_278 = tpu.vector_load %arg5[%swap3A_276, %swap3A_277] {strides = array<i32>} : memref<4x128xi32, #tpu.memory_space<vmem>>, vector<1x16xi32>,
      %swap3A_279 = vector.shape_cast %swap3A_278 : vector<1x16xi32> to vector<16xi32>
      %swap3A_280 = vector.shape_cast %add3A_274 : vector<16xi32> to vector<1x16xi32>
      tpu.vector_store %arg5[%swap3A_276, %swap3A_277], %swap3A_280 {strides = array<i32>} : memref<4x128xi32, #tpu.memory_space<vmem>>, vector<1x16xi32>,
      %mul3A_281 = arith.constant 512 : i32
      %mul3A_282 = arith.muli %arg1, %mul3A_281 : i32
      %add3A_283 = arith.constant 256 : i32
      %add3A_284 = arith.addi %mul3A_282, %add3A_283 : i32
      %add3A_285 = arith.constant 48 : i32
      %add3A_286 = arith.addi %add3A_284, %add3A_285 : i32
      %add3A_287 = vector.broadcast %add3A_286 : i32 to vector<16xi32>
      %add3A_288 = arith.addi %iota3A, %add3A_287 : vector<16xi32>
      %swap3A_289 = arith.constant 2 : i32
      %swap3A_290 = arith.index_cast %swap3A_289 : i32 to index
      %swap3A_291 = arith.constant 48 : index
      %swap3A_292 = tpu.vector_load %arg5[%swap3A_290, %swap3A_291] {strides = array<i32>} : memref<4x128xi32, #tpu.memory_space<vmem>>, vector<1x16xi32>,
      %swap3A_293 = vector.shape_cast %swap3A_292 : vector<1x16xi32> to vector<16xi32>
      %swap3A_294 = vector.shape_cast %add3A_288 : vector<16xi32> to vector<1x16xi32>
      tpu.vector_store %arg5[%swap3A_290, %swap3A_291], %swap3A_294 {strides = array<i32>} : memref<4x128xi32, #tpu.memory_space<vmem>>, vector<1x16xi32>,
      %mul3A_295 = arith.constant 512 : i32
      %mul3A_296 = arith.muli %arg1, %mul3A_295 : i32
      %add3A_297 = arith.constant 256 : i32
      %add3A_298 = arith.addi %mul3A_296, %add3A_297 : i32
      %add3A_299 = arith.constant 64 : i32
      %add3A_300 = arith.addi %add3A_298, %add3A_299 : i32
      %add3A_301 = vector.broadcast %add3A_300 : i32 to vector<16xi32>
      %add3A_302 = arith.addi %iota3A, %add3A_301 : vector<16xi32>
      %swap3A_303 = arith.constant 2 : i32
      %swap3A_304 = arith.index_cast %swap3A_303 : i32 to index
      %swap3A_305 = arith.constant 64 : index
      %swap3A_306 = tpu.vector_load %arg5[%swap3A_304, %swap3A_305] {strides = array<i32>} : memref<4x128xi32, #tpu.memory_space<vmem>>, vector<1x16xi32>,
      %swap3A_307 = vector.shape_cast %swap3A_306 : vector<1x16xi32> to vector<16xi32>
      %swap3A_308 = vector.shape_cast %add3A_302 : vector<16xi32> to vector<1x16xi32>
      tpu.vector_store %arg5[%swap3A_304, %swap3A_305], %swap3A_308 {strides = array<i32>} : memref<4x128xi32, #tpu.memory_space<vmem>>, vector<1x16xi32>,
      %mul3A_309 = arith.constant 512 : i32
      %mul3A_310 = arith.muli %arg1, %mul3A_309 : i32
      %add3A_311 = arith.constant 256 : i32
      %add3A_312 = arith.addi %mul3A_310, %add3A_311 : i32
      %add3A_313 = arith.constant 80 : i32
      %add3A_314 = arith.addi %add3A_312, %add3A_313 : i32
      %add3A_315 = vector.broadcast %add3A_314 : i32 to vector<16xi32>
      %add3A_316 = arith.addi %iota3A, %add3A_315 : vector<16xi32>
      %swap3A_317 = arith.constant 2 : i32
      %swap3A_318 = arith.index_cast %swap3A_317 : i32 to index
      %swap3A_319 = arith.constant 80 : index
      %swap3A_320 = tpu.vector_load %arg5[%swap3A_318, %swap3A_319] {strides = array<i32>} : memref<4x128xi32, #tpu.memory_space<vmem>>, vector<1x16xi32>,
      %swap3A_321 = vector.shape_cast %swap3A_320 : vector<1x16xi32> to vector<16xi32>
      %swap3A_322 = vector.shape_cast %add3A_316 : vector<16xi32> to vector<1x16xi32>
      tpu.vector_store %arg5[%swap3A_318, %swap3A_319], %swap3A_322 {strides = array<i32>} : memref<4x128xi32, #tpu.memory_space<vmem>>, vector<1x16xi32>,
      %mul3A_323 = arith.constant 512 : i32
      %mul3A_324 = arith.muli %arg1, %mul3A_323 : i32
      %add3A_325 = arith.constant 256 : i32
      %add3A_326 = arith.addi %mul3A_324, %add3A_325 : i32
      %add3A_327 = arith.constant 96 : i32
      %add3A_328 = arith.addi %add3A_326, %add3A_327 : i32
      %add3A_329 = vector.broadcast %add3A_328 : i32 to vector<16xi32>
      %add3A_330 = arith.addi %iota3A, %add3A_329 : vector<16xi32>
      %swap3A_331 = arith.constant 2 : i32
      %swap3A_332 = arith.index_cast %swap3A_331 : i32 to index
      %swap3A_333 = arith.constant 96 : index
      %swap3A_334 = tpu.vector_load %arg5[%swap3A_332, %swap3A_333] {strides = array<i32>} : memref<4x128xi32, #tpu.memory_space<vmem>>, vector<1x16xi32>,
      %swap3A_335 = vector.shape_cast %swap3A_334 : vector<1x16xi32> to vector<16xi32>
      %swap3A_336 = vector.shape_cast %add3A_330 : vector<16xi32> to vector<1x16xi32>
      tpu.vector_store %arg5[%swap3A_332, %swap3A_333], %swap3A_336 {strides = array<i32>} : memref<4x128xi32, #tpu.memory_space<vmem>>, vector<1x16xi32>,
      %mul3A_337 = arith.constant 512 : i32
      %mul3A_338 = arith.muli %arg1, %mul3A_337 : i32
      %add3A_339 = arith.constant 256 : i32
      %add3A_340 = arith.addi %mul3A_338, %add3A_339 : i32
      %add3A_341 = arith.constant 112 : i32
      %add3A_342 = arith.addi %add3A_340, %add3A_341 : i32
      %add3A_343 = vector.broadcast %add3A_342 : i32 to vector<16xi32>
      %add3A_344 = arith.addi %iota3A, %add3A_343 : vector<16xi32>
      %swap3A_345 = arith.constant 2 : i32
      %swap3A_346 = arith.index_cast %swap3A_345 : i32 to index
      %swap3A_347 = arith.constant 112 : index
      %swap3A_348 = tpu.vector_load %arg5[%swap3A_346, %swap3A_347] {strides = array<i32>} : memref<4x128xi32, #tpu.memory_space<vmem>>, vector<1x16xi32>,
      %swap3A_349 = vector.shape_cast %swap3A_348 : vector<1x16xi32> to vector<16xi32>
      %swap3A_350 = vector.shape_cast %add3A_344 : vector<16xi32> to vector<1x16xi32>
      tpu.vector_store %arg5[%swap3A_346, %swap3A_347], %swap3A_350 {strides = array<i32>} : memref<4x128xi32, #tpu.memory_space<vmem>>, vector<1x16xi32>,
      %mul3A_351 = arith.constant 512 : i32
      %mul3A_352 = arith.muli %arg1, %mul3A_351 : i32
      %add3A_353 = arith.constant 384 : i32
      %add3A_354 = arith.addi %mul3A_352, %add3A_353 : i32
      %add3A_355 = arith.constant 0 : i32
      %add3A_356 = arith.addi %add3A_354, %add3A_355 : i32
      %add3A_357 = vector.broadcast %add3A_356 : i32 to vector<16xi32>
      %add3A_358 = arith.addi %iota3A, %add3A_357 : vector<16xi32>
      %swap3A_359 = arith.constant 3 : i32
      %swap3A_360 = arith.index_cast %swap3A_359 : i32 to index
      %swap3A_361 = arith.constant 0 : index
      %swap3A_362 = tpu.vector_load %arg5[%swap3A_360, %swap3A_361] {strides = array<i32>} : memref<4x128xi32, #tpu.memory_space<vmem>>, vector<1x16xi32>,
      %swap3A_363 = vector.shape_cast %swap3A_362 : vector<1x16xi32> to vector<16xi32>
      %swap3A_364 = vector.shape_cast %add3A_358 : vector<16xi32> to vector<1x16xi32>
      tpu.vector_store %arg5[%swap3A_360, %swap3A_361], %swap3A_364 {strides = array<i32>} : memref<4x128xi32, #tpu.memory_space<vmem>>, vector<1x16xi32>,
      %mul3A_365 = arith.constant 512 : i32
      %mul3A_366 = arith.muli %arg1, %mul3A_365 : i32
      %add3A_367 = arith.constant 384 : i32
      %add3A_368 = arith.addi %mul3A_366, %add3A_367 : i32
      %add3A_369 = arith.constant 16 : i32
      %add3A_370 = arith.addi %add3A_368, %add3A_369 : i32
      %add3A_371 = vector.broadcast %add3A_370 : i32 to vector<16xi32>
      %add3A_372 = arith.addi %iota3A, %add3A_371 : vector<16xi32>
      %swap3A_373 = arith.constant 3 : i32
      %swap3A_374 = arith.index_cast %swap3A_373 : i32 to index
      %swap3A_375 = arith.constant 16 : index
      %swap3A_376 = tpu.vector_load %arg5[%swap3A_374, %swap3A_375] {strides = array<i32>} : memref<4x128xi32, #tpu.memory_space<vmem>>, vector<1x16xi32>,
      %swap3A_377 = vector.shape_cast %swap3A_376 : vector<1x16xi32> to vector<16xi32>
      %swap3A_378 = vector.shape_cast %add3A_372 : vector<16xi32> to vector<1x16xi32>
      tpu.vector_store %arg5[%swap3A_374, %swap3A_375], %swap3A_378 {strides = array<i32>} : memref<4x128xi32, #tpu.memory_space<vmem>>, vector<1x16xi32>,
      %mul3A_379 = arith.constant 512 : i32
      %mul3A_380 = arith.muli %arg1, %mul3A_379 : i32
      %add3A_381 = arith.constant 384 : i32
      %add3A_382 = arith.addi %mul3A_380, %add3A_381 : i32
      %add3A_383 = arith.constant 32 : i32
      %add3A_384 = arith.addi %add3A_382, %add3A_383 : i32
      %add3A_385 = vector.broadcast %add3A_384 : i32 to vector<16xi32>
      %add3A_386 = arith.addi %iota3A, %add3A_385 : vector<16xi32>
      %swap3A_387 = arith.constant 3 : i32
      %swap3A_388 = arith.index_cast %swap3A_387 : i32 to index
      %swap3A_389 = arith.constant 32 : index
      %swap3A_390 = tpu.vector_load %arg5[%swap3A_388, %swap3A_389] {strides = array<i32>} : memref<4x128xi32, #tpu.memory_space<vmem>>, vector<1x16xi32>,
      %swap3A_391 = vector.shape_cast %swap3A_390 : vector<1x16xi32> to vector<16xi32>
      %swap3A_392 = vector.shape_cast %add3A_386 : vector<16xi32> to vector<1x16xi32>
      tpu.vector_store %arg5[%swap3A_388, %swap3A_389], %swap3A_392 {strides = array<i32>} : memref<4x128xi32, #tpu.memory_space<vmem>>, vector<1x16xi32>,
      %mul3A_393 = arith.constant 512 : i32
      %mul3A_394 = arith.muli %arg1, %mul3A_393 : i32
      %add3A_395 = arith.constant 384 : i32
      %add3A_396 = arith.addi %mul3A_394, %add3A_395 : i32
      %add3A_397 = arith.constant 48 : i32
      %add3A_398 = arith.addi %add3A_396, %add3A_397 : i32
      %add3A_399 = vector.broadcast %add3A_398 : i32 to vector<16xi32>
      %add3A_400 = arith.addi %iota3A, %add3A_399 : vector<16xi32>
      %swap3A_401 = arith.constant 3 : i32
      %swap3A_402 = arith.index_cast %swap3A_401 : i32 to index
      %swap3A_403 = arith.constant 48 : index
      %swap3A_404 = tpu.vector_load %arg5[%swap3A_402, %swap3A_403] {strides = array<i32>} : memref<4x128xi32, #tpu.memory_space<vmem>>, vector<1x16xi32>,
      %swap3A_405 = vector.shape_cast %swap3A_404 : vector<1x16xi32> to vector<16xi32>
      %swap3A_406 = vector.shape_cast %add3A_400 : vector<16xi32> to vector<1x16xi32>
      tpu.vector_store %arg5[%swap3A_402, %swap3A_403], %swap3A_406 {strides = array<i32>} : memref<4x128xi32, #tpu.memory_space<vmem>>, vector<1x16xi32>,
      %mul3A_407 = arith.constant 512 : i32
      %mul3A_408 = arith.muli %arg1, %mul3A_407 : i32
      %add3A_409 = arith.constant 384 : i32
      %add3A_410 = arith.addi %mul3A_408, %add3A_409 : i32
      %add3A_411 = arith.constant 64 : i32
      %add3A_412 = arith.addi %add3A_410, %add3A_411 : i32
      %add3A_413 = vector.broadcast %add3A_412 : i32 to vector<16xi32>
      %add3A_414 = arith.addi %iota3A, %add3A_413 : vector<16xi32>
      %swap3A_415 = arith.constant 3 : i32
      %swap3A_416 = arith.index_cast %swap3A_415 : i32 to index
      %swap3A_417 = arith.constant 64 : index
      %swap3A_418 = tpu.vector_load %arg5[%swap3A_416, %swap3A_417] {strides = array<i32>} : memref<4x128xi32, #tpu.memory_space<vmem>>, vector<1x16xi32>,
      %swap3A_419 = vector.shape_cast %swap3A_418 : vector<1x16xi32> to vector<16xi32>
      %swap3A_420 = vector.shape_cast %add3A_414 : vector<16xi32> to vector<1x16xi32>
      tpu.vector_store %arg5[%swap3A_416, %swap3A_417], %swap3A_420 {strides = array<i32>} : memref<4x128xi32, #tpu.memory_space<vmem>>, vector<1x16xi32>,
      %mul3A_421 = arith.constant 512 : i32
      %mul3A_422 = arith.muli %arg1, %mul3A_421 : i32
      %add3A_423 = arith.constant 384 : i32
      %add3A_424 = arith.addi %mul3A_422, %add3A_423 : i32
      %add3A_425 = arith.constant 80 : i32
      %add3A_426 = arith.addi %add3A_424, %add3A_425 : i32
      %add3A_427 = vector.broadcast %add3A_426 : i32 to vector<16xi32>
      %add3A_428 = arith.addi %iota3A, %add3A_427 : vector<16xi32>
      %swap3A_429 = arith.constant 3 : i32
      %swap3A_430 = arith.index_cast %swap3A_429 : i32 to index
      %swap3A_431 = arith.constant 80 : index
      %swap3A_432 = tpu.vector_load %arg5[%swap3A_430, %swap3A_431] {strides = array<i32>} : memref<4x128xi32, #tpu.memory_space<vmem>>, vector<1x16xi32>,
      %swap3A_433 = vector.shape_cast %swap3A_432 : vector<1x16xi32> to vector<16xi32>
      %swap3A_434 = vector.shape_cast %add3A_428 : vector<16xi32> to vector<1x16xi32>
      tpu.vector_store %arg5[%swap3A_430, %swap3A_431], %swap3A_434 {strides = array<i32>} : memref<4x128xi32, #tpu.memory_space<vmem>>, vector<1x16xi32>,
      %mul3A_435 = arith.constant 512 : i32
      %mul3A_436 = arith.muli %arg1, %mul3A_435 : i32
      %add3A_437 = arith.constant 384 : i32
      %add3A_438 = arith.addi %mul3A_436, %add3A_437 : i32
      %add3A_439 = arith.constant 96 : i32
      %add3A_440 = arith.addi %add3A_438, %add3A_439 : i32
      %add3A_441 = vector.broadcast %add3A_440 : i32 to vector<16xi32>
      %add3A_442 = arith.addi %iota3A, %add3A_441 : vector<16xi32>
      %swap3A_443 = arith.constant 3 : i32
      %swap3A_444 = arith.index_cast %swap3A_443 : i32 to index
      %swap3A_445 = arith.constant 96 : index
      %swap3A_446 = tpu.vector_load %arg5[%swap3A_444, %swap3A_445] {strides = array<i32>} : memref<4x128xi32, #tpu.memory_space<vmem>>, vector<1x16xi32>,
      %swap3A_447 = vector.shape_cast %swap3A_446 : vector<1x16xi32> to vector<16xi32>
      %swap3A_448 = vector.shape_cast %add3A_442 : vector<16xi32> to vector<1x16xi32>
      tpu.vector_store %arg5[%swap3A_444, %swap3A_445], %swap3A_448 {strides = array<i32>} : memref<4x128xi32, #tpu.memory_space<vmem>>, vector<1x16xi32>,
      %mul3A_449 = arith.constant 512 : i32
      %mul3A_450 = arith.muli %arg1, %mul3A_449 : i32
      %add3A_451 = arith.constant 384 : i32
      %add3A_452 = arith.addi %mul3A_450, %add3A_451 : i32
      %add3A_453 = arith.constant 112 : i32
      %add3A_454 = arith.addi %add3A_452, %add3A_453 : i32
      %add3A_455 = vector.broadcast %add3A_454 : i32 to vector<16xi32>
      %add3A_456 = arith.addi %iota3A, %add3A_455 : vector<16xi32>
      %swap3A_457 = arith.constant 3 : i32
      %swap3A_458 = arith.index_cast %swap3A_457 : i32 to index
      %swap3A_459 = arith.constant 112 : index
      %swap3A_460 = tpu.vector_load %arg5[%swap3A_458, %swap3A_459] {strides = array<i32>} : memref<4x128xi32, #tpu.memory_space<vmem>>, vector<1x16xi32>,
      %swap3A_461 = vector.shape_cast %swap3A_460 : vector<1x16xi32> to vector<16xi32>
      %swap3A_462 = vector.shape_cast %add3A_456 : vector<16xi32> to vector<1x16xi32>
      tpu.vector_store %arg5[%swap3A_458, %swap3A_459], %swap3A_462 {strides = array<i32>} : memref<4x128xi32, #tpu.memory_space<vmem>>, vector<1x16xi32>,
      %scan3A = arith.constant 0 : i32
      %scan3A_463 = arith.constant 0 : i32
      %scan3A_464 = arith.constant 34 : i32
      %scan3A_465 = arith.addi %scan3A_463, %scan3A_464 : i32
      %scan3A_466 = arith.constant 1 : i32
      scf.for %scan3A_473 = %scan3A_463 to %scan3A_465 step %scan3A_466  : i32 {
        %broadcast_in_dim3A = arith.constant -1 : i32
        %broadcast_in_dim3A_474 = vector.broadcast %broadcast_in_dim3A : i32 to vector<16xi32>
        %mul3A_475 = arith.constant 16 : i32
        %mul3A_476 = arith.muli %scan3A_473, %mul3A_475 : i32
        %swap3A_477 = arith.index_cast %mul3A_476 : i32 to index
        %swap3A_478 = tpu.vector_load %arg6[%swap3A_477] {strides = array<i32>} : memref<544xi32, #tpu.memory_space<vmem>>, vector<16xi32>,
        %swap3A_479 = vector.shape_cast %swap3A_478 : vector<16xi32> to vector<16xi32>
        %swap3A_480 = vector.shape_cast %broadcast_in_dim3A_474 : vector<16xi32> to vector<16xi32>
        tpu.vector_store %arg6[%swap3A_477], %swap3A_480 {strides = array<i32>} : memref<544xi32, #tpu.memory_space<vmem>>, vector<16xi32>,
      }
      %scan3A_467 = arith.constant 34 : i32
      %mul3A_468 = arith.constant 544 : i32
      %mul3A_469 = arith.muli %arg1, %mul3A_468 : i32
      "tpu.region"() ({
        %run_scoped3A = tpu.sem_alloc : memref<!tpu.dma_semaphore, #tpu.memory_space<semaphore_mem>>
        %dma_start3A_473 = tpu.memref_slice %arg7[%mul3A_469] : memref<8704xi32, #tpu.memory_space<vmem_shared>> -> memref<544xi32, #tpu.memory_space<vmem_shared>>
        %dma_start3A_474 = tpu.memref_slice %arg7[%mul3A_469] : memref<8704xi32, #tpu.memory_space<vmem_shared>> -> memref<544xi32, #tpu.memory_space<vmem_shared>>
        tpu.enqueue_dma source(%arg6 : memref<544xi32, #tpu.memory_space<vmem>>) target(%dma_start3A_474 : memref<544xi32, #tpu.memory_space<vmem_shared>>) target_semaphore(%run_scoped3A : memref<!tpu.dma_semaphore, #tpu.memory_space<semaphore_mem>>)
        %dma_wait3A_475 = tpu.memref_slice %arg7[%mul3A_469] : memref<8704xi32, #tpu.memory_space<vmem_shared>> -> memref<544xi32, #tpu.memory_space<vmem_shared>>
        %dma_wait3A_476 = tpu.memref_slice %arg7[%mul3A_469] : memref<8704xi32, #tpu.memory_space<vmem_shared>> -> memref<544xi32, #tpu.memory_space<vmem_shared>>
        tpu.wait_dma2 semaphore(%run_scoped3A : memref<!tpu.dma_semaphore, #tpu.memory_space<semaphore_mem>>) src(%arg6 : memref<544xi32, #tpu.memory_space<vmem>>) dst(%dma_wait3A_476 : memref<544xi32, #tpu.memory_space<vmem_shared>>)
        tpu.yield
      }) : () -> ()
      %dma_wait3A = arith.constant 0 : i32
      %dma_wait3A_470 = tpu.memref_slice %arg2[%mul3A_13, %dma_wait3A] : memref<64x128xi32, #tpu.memory_space<hbm>> -> memref<4x128xi32, #tpu.memory_space<hbm>>
      %dma_wait3A_471 = arith.constant 0 : i32
      %dma_wait3A_472 = tpu.memref_slice %arg2[%mul3A_13, %dma_wait3A_471] : memref<64x128xi32, #tpu.memory_space<hbm>> -> memref<4x128xi32, #tpu.memory_space<hbm>>
      tpu.wait_dma2 semaphore(%arg9 : memref<!tpu.dma_semaphore, #tpu.memory_space<semaphore_mem>>) src(%dma_wait3A_472 : memref<4x128xi32, #tpu.memory_space<hbm>>) dst(%arg4 : memref<4x128xi32, #tpu.memory_space<vmem>>)
    } else {
    }
    %barrier3A = arith.constant 0 : index
    tpu.barrier barrier_id(%barrier3A)
    %eq3A_2 = arith.constant 0 : i32
    %eq3A_3 = arith.cmpi eq, %arg0, %eq3A_2 : i32
    %convert_element_type3A_4 = arith.extui %eq3A_3 : i1 to i32
    %cond3A_5 = arith.constant 0 : i32
    %cond3A_6 = arith.cmpi ne, %convert_element_type3A_4, %cond3A_5 : i32
    scf.if %cond3A_6 {
      %dma_start3A = arith.constant 0 : i32
      %dma_start3A_13 = arith.constant 0 : i32
      %dma_start3A_14 = arith.constant 0 : i32
      %dma_start3A_15 = tpu.memref_slice %arg5[%dma_start3A, %dma_start3A_14] : memref<4x128xi32, #tpu.memory_space<vmem>> -> memref<1x128xi32, #tpu.memory_space<vmem>>
      %dma_start3A_16 = tpu.memref_squeeze %dma_start3A_15 : memref<1x128xi32, #tpu.memory_space<vmem>> -> memref<128xi32, #tpu.memory_space<vmem>>
      %dma_start3A_17 = arith.constant 0 : i32
      %dma_start3A_18 = tpu.memref_slice %arg4[%dma_start3A_13, %dma_start3A_17] : memref<4x128xi32, #tpu.memory_space<vmem>> -> memref<1x128xi32, #tpu.memory_space<vmem>>
      %dma_start3A_19 = tpu.memref_squeeze %dma_start3A_18 : memref<1x128xi32, #tpu.memory_space<vmem>> -> memref<128xi32, #tpu.memory_space<vmem>>
      %dma_start3A_20 = arith.constant 0 : i32
      %dma_start3A_21 = tpu.memref_slice %arg7[%dma_start3A_20] : memref<8704xi32, #tpu.memory_space<vmem_shared>> -> memref<8704xi32, #tpu.memory_space<vmem_shared>>
      tpu.enqueue_indirect_dma source(%dma_start3A_16 : memref<128xi32, #tpu.memory_space<vmem>>) target(%dma_start3A_21 : memref<8704xi32, #tpu.memory_space<vmem_shared>>) offsets(%dma_start3A_19 : memref<128xi32, #tpu.memory_space<vmem>>) semaphore(%arg8 : memref<!tpu.dma_semaphore, #tpu.memory_space<semaphore_mem>>)
      %dma_start3A_22 = arith.constant 1 : i32
      %dma_start3A_23 = arith.constant 1 : i32
      %dma_start3A_24 = arith.constant 0 : i32
      %dma_start3A_25 = tpu.memref_slice %arg5[%dma_start3A_22, %dma_start3A_24] : memref<4x128xi32, #tpu.memory_space<vmem>> -> memref<1x128xi32, #tpu.memory_space<vmem>>
      %dma_start3A_26 = tpu.memref_squeeze %dma_start3A_25 : memref<1x128xi32, #tpu.memory_space<vmem>> -> memref<128xi32, #tpu.memory_space<vmem>>
      %dma_start3A_27 = arith.constant 0 : i32
      %dma_start3A_28 = tpu.memref_slice %arg4[%dma_start3A_23, %dma_start3A_27] : memref<4x128xi32, #tpu.memory_space<vmem>> -> memref<1x128xi32, #tpu.memory_space<vmem>>
      %dma_start3A_29 = tpu.memref_squeeze %dma_start3A_28 : memref<1x128xi32, #tpu.memory_space<vmem>> -> memref<128xi32, #tpu.memory_space<vmem>>
      %dma_start3A_30 = arith.constant 0 : i32
      %dma_start3A_31 = tpu.memref_slice %arg7[%dma_start3A_30] : memref<8704xi32, #tpu.memory_space<vmem_shared>> -> memref<8704xi32, #tpu.memory_space<vmem_shared>>
      tpu.enqueue_indirect_dma source(%dma_start3A_26 : memref<128xi32, #tpu.memory_space<vmem>>) target(%dma_start3A_31 : memref<8704xi32, #tpu.memory_space<vmem_shared>>) offsets(%dma_start3A_29 : memref<128xi32, #tpu.memory_space<vmem>>) semaphore(%arg8 : memref<!tpu.dma_semaphore, #tpu.memory_space<semaphore_mem>>)
      %dma_start3A_32 = arith.constant 2 : i32
      %dma_start3A_33 = arith.constant 2 : i32
      %dma_start3A_34 = arith.constant 0 : i32
      %dma_start3A_35 = tpu.memref_slice %arg5[%dma_start3A_32, %dma_start3A_34] : memref<4x128xi32, #tpu.memory_space<vmem>> -> memref<1x128xi32, #tpu.memory_space<vmem>>
      %dma_start3A_36 = tpu.memref_squeeze %dma_start3A_35 : memref<1x128xi32, #tpu.memory_space<vmem>> -> memref<128xi32, #tpu.memory_space<vmem>>
      %dma_start3A_37 = arith.constant 0 : i32
      %dma_start3A_38 = tpu.memref_slice %arg4[%dma_start3A_33, %dma_start3A_37] : memref<4x128xi32, #tpu.memory_space<vmem>> -> memref<1x128xi32, #tpu.memory_space<vmem>>
      %dma_start3A_39 = tpu.memref_squeeze %dma_start3A_38 : memref<1x128xi32, #tpu.memory_space<vmem>> -> memref<128xi32, #tpu.memory_space<vmem>>
      %dma_start3A_40 = arith.constant 0 : i32
      %dma_start3A_41 = tpu.memref_slice %arg7[%dma_start3A_40] : memref<8704xi32, #tpu.memory_space<vmem_shared>> -> memref<8704xi32, #tpu.memory_space<vmem_shared>>
      tpu.enqueue_indirect_dma source(%dma_start3A_36 : memref<128xi32, #tpu.memory_space<vmem>>) target(%dma_start3A_41 : memref<8704xi32, #tpu.memory_space<vmem_shared>>) offsets(%dma_start3A_39 : memref<128xi32, #tpu.memory_space<vmem>>) semaphore(%arg8 : memref<!tpu.dma_semaphore, #tpu.memory_space<semaphore_mem>>)
      %dma_start3A_42 = arith.constant 3 : i32
      %dma_start3A_43 = arith.constant 3 : i32
      %dma_start3A_44 = arith.constant 0 : i32
      %dma_start3A_45 = tpu.memref_slice %arg5[%dma_start3A_42, %dma_start3A_44] : memref<4x128xi32, #tpu.memory_space<vmem>> -> memref<1x128xi32, #tpu.memory_space<vmem>>
      %dma_start3A_46 = tpu.memref_squeeze %dma_start3A_45 : memref<1x128xi32, #tpu.memory_space<vmem>> -> memref<128xi32, #tpu.memory_space<vmem>>
      %dma_start3A_47 = arith.constant 0 : i32
      %dma_start3A_48 = tpu.memref_slice %arg4[%dma_start3A_43, %dma_start3A_47] : memref<4x128xi32, #tpu.memory_space<vmem>> -> memref<1x128xi32, #tpu.memory_space<vmem>>
      %dma_start3A_49 = tpu.memref_squeeze %dma_start3A_48 : memref<1x128xi32, #tpu.memory_space<vmem>> -> memref<128xi32, #tpu.memory_space<vmem>>
      %dma_start3A_50 = arith.constant 0 : i32
      %dma_start3A_51 = tpu.memref_slice %arg7[%dma_start3A_50] : memref<8704xi32, #tpu.memory_space<vmem_shared>> -> memref<8704xi32, #tpu.memory_space<vmem_shared>>
      tpu.enqueue_indirect_dma source(%dma_start3A_46 : memref<128xi32, #tpu.memory_space<vmem>>) target(%dma_start3A_51 : memref<8704xi32, #tpu.memory_space<vmem_shared>>) offsets(%dma_start3A_49 : memref<128xi32, #tpu.memory_space<vmem>>) semaphore(%arg8 : memref<!tpu.dma_semaphore, #tpu.memory_space<semaphore_mem>>)
      %dma_wait3A = arith.constant 0 : i32
      %dma_wait3A_52 = arith.constant 0 : i32
      %dma_wait3A_53 = arith.constant 0 : i32
      %dma_wait3A_54 = tpu.memref_slice %arg5[%dma_wait3A, %dma_wait3A_53] : memref<4x128xi32, #tpu.memory_space<vmem>> -> memref<1x128xi32, #tpu.memory_space<vmem>>
      %dma_wait3A_55 = tpu.memref_squeeze %dma_wait3A_54 : memref<1x128xi32, #tpu.memory_space<vmem>> -> memref<128xi32, #tpu.memory_space<vmem>>
      %dma_wait3A_56 = arith.constant 0 : i32
      %dma_wait3A_57 = tpu.memref_slice %arg4[%dma_wait3A_52, %dma_wait3A_56] : memref<4x128xi32, #tpu.memory_space<vmem>> -> memref<1x128xi32, #tpu.memory_space<vmem>>
      %dma_wait3A_58 = tpu.memref_squeeze %dma_wait3A_57 : memref<1x128xi32, #tpu.memory_space<vmem>> -> memref<128xi32, #tpu.memory_space<vmem>>
      %dma_wait3A_59 = arith.constant 0 : i32
      %dma_wait3A_60 = tpu.memref_slice %arg7[%dma_wait3A_59] : memref<8704xi32, #tpu.memory_space<vmem_shared>> -> memref<8704xi32, #tpu.memory_space<vmem_shared>>
      tpu.wait_indirect_dma semaphore(%arg8 : memref<!tpu.dma_semaphore, #tpu.memory_space<semaphore_mem>>) src(%dma_wait3A_55 : memref<128xi32, #tpu.memory_space<vmem>>) dst(%dma_wait3A_60 : memref<8704xi32, #tpu.memory_space<vmem_shared>>)
      %dma_wait3A_61 = arith.constant 1 : i32
      %dma_wait3A_62 = arith.constant 1 : i32
      %dma_wait3A_63 = arith.constant 0 : i32
      %dma_wait3A_64 = tpu.memref_slice %arg5[%dma_wait3A_61, %dma_wait3A_63] : memref<4x128xi32, #tpu.memory_space<vmem>> -> memref<1x128xi32, #tpu.memory_space<vmem>>
      %dma_wait3A_65 = tpu.memref_squeeze %dma_wait3A_64 : memref<1x128xi32, #tpu.memory_space<vmem>> -> memref<128xi32, #tpu.memory_space<vmem>>
      %dma_wait3A_66 = arith.constant 0 : i32
      %dma_wait3A_67 = tpu.memref_slice %arg4[%dma_wait3A_62, %dma_wait3A_66] : memref<4x128xi32, #tpu.memory_space<vmem>> -> memref<1x128xi32, #tpu.memory_space<vmem>>
      %dma_wait3A_68 = tpu.memref_squeeze %dma_wait3A_67 : memref<1x128xi32, #tpu.memory_space<vmem>> -> memref<128xi32, #tpu.memory_space<vmem>>
      %dma_wait3A_69 = arith.constant 0 : i32
      %dma_wait3A_70 = tpu.memref_slice %arg7[%dma_wait3A_69] : memref<8704xi32, #tpu.memory_space<vmem_shared>> -> memref<8704xi32, #tpu.memory_space<vmem_shared>>
      tpu.wait_indirect_dma semaphore(%arg8 : memref<!tpu.dma_semaphore, #tpu.memory_space<semaphore_mem>>) src(%dma_wait3A_65 : memref<128xi32, #tpu.memory_space<vmem>>) dst(%dma_wait3A_70 : memref<8704xi32, #tpu.memory_space<vmem_shared>>)
      %dma_wait3A_71 = arith.constant 2 : i32
      %dma_wait3A_72 = arith.constant 2 : i32
      %dma_wait3A_73 = arith.constant 0 : i32
      %dma_wait3A_74 = tpu.memref_slice %arg5[%dma_wait3A_71, %dma_wait3A_73] : memref<4x128xi32, #tpu.memory_space<vmem>> -> memref<1x128xi32, #tpu.memory_space<vmem>>
      %dma_wait3A_75 = tpu.memref_squeeze %dma_wait3A_74 : memref<1x128xi32, #tpu.memory_space<vmem>> -> memref<128xi32, #tpu.memory_space<vmem>>
      %dma_wait3A_76 = arith.constant 0 : i32
      %dma_wait3A_77 = tpu.memref_slice %arg4[%dma_wait3A_72, %dma_wait3A_76] : memref<4x128xi32, #tpu.memory_space<vmem>> -> memref<1x128xi32, #tpu.memory_space<vmem>>
      %dma_wait3A_78 = tpu.memref_squeeze %dma_wait3A_77 : memref<1x128xi32, #tpu.memory_space<vmem>> -> memref<128xi32, #tpu.memory_space<vmem>>
      %dma_wait3A_79 = arith.constant 0 : i32
      %dma_wait3A_80 = tpu.memref_slice %arg7[%dma_wait3A_79] : memref<8704xi32, #tpu.memory_space<vmem_shared>> -> memref<8704xi32, #tpu.memory_space<vmem_shared>>
      tpu.wait_indirect_dma semaphore(%arg8 : memref<!tpu.dma_semaphore, #tpu.memory_space<semaphore_mem>>) src(%dma_wait3A_75 : memref<128xi32, #tpu.memory_space<vmem>>) dst(%dma_wait3A_80 : memref<8704xi32, #tpu.memory_space<vmem_shared>>)
      %dma_wait3A_81 = arith.constant 3 : i32
      %dma_wait3A_82 = arith.constant 3 : i32
      %dma_wait3A_83 = arith.constant 0 : i32
      %dma_wait3A_84 = tpu.memref_slice %arg5[%dma_wait3A_81, %dma_wait3A_83] : memref<4x128xi32, #tpu.memory_space<vmem>> -> memref<1x128xi32, #tpu.memory_space<vmem>>
      %dma_wait3A_85 = tpu.memref_squeeze %dma_wait3A_84 : memref<1x128xi32, #tpu.memory_space<vmem>> -> memref<128xi32, #tpu.memory_space<vmem>>
      %dma_wait3A_86 = arith.constant 0 : i32
      %dma_wait3A_87 = tpu.memref_slice %arg4[%dma_wait3A_82, %dma_wait3A_86] : memref<4x128xi32, #tpu.memory_space<vmem>> -> memref<1x128xi32, #tpu.memory_space<vmem>>
      %dma_wait3A_88 = tpu.memref_squeeze %dma_wait3A_87 : memref<1x128xi32, #tpu.memory_space<vmem>> -> memref<128xi32, #tpu.memory_space<vmem>>
      %dma_wait3A_89 = arith.constant 0 : i32
      %dma_wait3A_90 = tpu.memref_slice %arg7[%dma_wait3A_89] : memref<8704xi32, #tpu.memory_space<vmem_shared>> -> memref<8704xi32, #tpu.memory_space<vmem_shared>>
      tpu.wait_indirect_dma semaphore(%arg8 : memref<!tpu.dma_semaphore, #tpu.memory_space<semaphore_mem>>) src(%dma_wait3A_85 : memref<128xi32, #tpu.memory_space<vmem>>) dst(%dma_wait3A_90 : memref<8704xi32, #tpu.memory_space<vmem_shared>>)
    } else {
    }
    %barrier3A_7 = arith.constant 0 : index
    tpu.barrier barrier_id(%barrier3A_7)
    %eq3A_8 = arith.constant 0 : i32
    %eq3A_9 = arith.cmpi eq, %arg0, %eq3A_8 : i32
    %convert_element_type3A_10 = arith.extui %eq3A_9 : i1 to i32
    %cond3A_11 = arith.constant 0 : i32
    %cond3A_12 = arith.cmpi ne, %convert_element_type3A_10, %cond3A_11 : i32
    scf.if %cond3A_12 {
      %mul3A = arith.constant 544 : i32
      %mul3A_13 = arith.muli %arg1, %mul3A : i32
      "tpu.region"() ({
        %run_scoped3A = tpu.sem_alloc : memref<!tpu.dma_semaphore, #tpu.memory_space<semaphore_mem>>
        %dma_start3A = tpu.memref_slice %arg7[%mul3A_13] : memref<8704xi32, #tpu.memory_space<vmem_shared>> -> memref<544xi32, #tpu.memory_space<vmem_shared>>
        %dma_start3A_16 = tpu.memref_slice %arg7[%mul3A_13] : memref<8704xi32, #tpu.memory_space<vmem_shared>> -> memref<544xi32, #tpu.memory_space<vmem_shared>>
        tpu.enqueue_dma source(%dma_start3A_16 : memref<544xi32, #tpu.memory_space<vmem_shared>>) target(%arg6 : memref<544xi32, #tpu.memory_space<vmem>>) target_semaphore(%run_scoped3A : memref<!tpu.dma_semaphore, #tpu.memory_space<semaphore_mem>>)
        %dma_wait3A = tpu.memref_slice %arg7[%mul3A_13] : memref<8704xi32, #tpu.memory_space<vmem_shared>> -> memref<544xi32, #tpu.memory_space<vmem_shared>>
        %dma_wait3A_17 = tpu.memref_slice %arg7[%mul3A_13] : memref<8704xi32, #tpu.memory_space<vmem_shared>> -> memref<544xi32, #tpu.memory_space<vmem_shared>>
        tpu.wait_dma2 semaphore(%run_scoped3A : memref<!tpu.dma_semaphore, #tpu.memory_space<semaphore_mem>>) src(%dma_wait3A_17 : memref<544xi32, #tpu.memory_space<vmem_shared>>) dst(%arg6 : memref<544xi32, #tpu.memory_space<vmem>>)
        tpu.yield
      }) : () -> ()
      %mul3A_14 = arith.constant 544 : i32
      %mul3A_15 = arith.muli %arg1, %mul3A_14 : i32
      "tpu.region"() ({
        %run_scoped3A = tpu.sem_alloc : memref<!tpu.dma_semaphore, #tpu.memory_space<semaphore_mem>>
        %dma_start3A = tpu.memref_slice %arg3[%mul3A_15] : memref<8704xi32, #tpu.memory_space<hbm>> -> memref<544xi32, #tpu.memory_space<hbm>>
        %dma_start3A_16 = tpu.memref_slice %arg3[%mul3A_15] : memref<8704xi32, #tpu.memory_space<hbm>> -> memref<544xi32, #tpu.memory_space<hbm>>
        tpu.enqueue_dma source(%arg6 : memref<544xi32, #tpu.memory_space<vmem>>) target(%dma_start3A_16 : memref<544xi32, #tpu.memory_space<hbm>>) target_semaphore(%run_scoped3A : memref<!tpu.dma_semaphore, #tpu.memory_space<semaphore_mem>>)
        %dma_wait3A = tpu.memref_slice %arg3[%mul3A_15] : memref<8704xi32, #tpu.memory_space<hbm>> -> memref<544xi32, #tpu.memory_space<hbm>>
        %dma_wait3A_17 = tpu.memref_slice %arg3[%mul3A_15] : memref<8704xi32, #tpu.memory_space<hbm>> -> memref<544xi32, #tpu.memory_space<hbm>>
        tpu.wait_dma2 semaphore(%run_scoped3A : memref<!tpu.dma_semaphore, #tpu.memory_space<semaphore_mem>>) src(%arg6 : memref<544xi32, #tpu.memory_space<vmem>>) dst(%dma_wait3A_17 : memref<544xi32, #tpu.memory_space<hbm>>)
        tpu.yield
      }) : () -> ()
    } else {
    }
    return
  }
}

module attributes {stable_mosaic.version = 14 : i64} {
  func.func @_tc_body(%arg0: i32, %arg1: memref<8192x2048xf32, #tpu.memory_space<hbm>>, %arg2: memref<2048x64xf32, #tpu.memory_space<vmem>>, %arg3: memref<2048x64xf32, #tpu.memory_space<vmem>>, %arg4: memref<16x128xi32, #tpu.memory_space<vmem>>, %arg5: memref<1x1xf32, #tpu.memory_space<smem>>, %arg6: memref<2x2048x2048xf32, #tpu.memory_space<vmem>>, %arg7: memref<2x2x!tpu.dma_semaphore, #tpu.memory_space<semaphore_mem>>, %arg8: memref<1x64xf32, #tpu.memory_space<vmem>>, %arg9: memref<1x64xf32, #tpu.memory_space<vmem>>) attributes {dimension_semantics = [#tpu.dimension_semantics<arbitrary>], iteration_bounds = array<i64: 4>, scalar_prefetch = 0 : i64, scratch_operands = 4 : i64, tpu.core_type = #tpu.core_type<tc>, window_params = [{}, {pipeline_mode = #tpu.pipeline_mode<synchronous>, transform_indices = @transform_1, window_bounds = array<i64: 2048, 64>}, {transform_indices = @transform_2, window_bounds = array<i64: 2048, 64>}, {transform_indices = @transform_3, window_bounds = array<i64: 16, 128>}, {transform_indices = @transform_4, window_bounds = array<i64: 1, 1>}]} {
    %eq3A = arith.constant 0 : i32
    %eq3A_0 = arith.cmpi eq, %arg0, %eq3A : i32
    %convert_element_type3A = arith.extui %eq3A_0 : i1 to i32
    %cond3A = arith.constant 0 : i32
    %cond3A_1 = arith.cmpi ne, %convert_element_type3A, %cond3A : i32
    scf.if %cond3A_1 {
      %broadcast_in_dim3A = arith.constant 0.000000e+00 : f32
      %broadcast_in_dim3A_85 = vector.broadcast %broadcast_in_dim3A : f32 to vector<1x64xf32>
      %swap3A = arith.constant 0 : index
      %swap3A_86 = arith.constant 0 : index
      %swap3A_87 = vector.load %arg8[%swap3A, %swap3A_86] : memref<1x64xf32, #tpu.memory_space<vmem>>, vector<1x64xf32>
      tpu.vector_store %arg8[%swap3A, %swap3A_86], %broadcast_in_dim3A_85 {strides = array<i32>} : memref<1x64xf32, #tpu.memory_space<vmem>>, vector<1x64xf32>,
      %broadcast_in_dim3A_88 = arith.constant 0.000000e+00 : f32
      %broadcast_in_dim3A_89 = vector.broadcast %broadcast_in_dim3A_88 : f32 to vector<1x64xf32>
      %swap3A_90 = arith.constant 0 : index
      %swap3A_91 = arith.constant 0 : index
      %swap3A_92 = vector.load %arg9[%swap3A_90, %swap3A_91] : memref<1x64xf32, #tpu.memory_space<vmem>>, vector<1x64xf32>
      tpu.vector_store %arg9[%swap3A_90, %swap3A_91], %broadcast_in_dim3A_89 {strides = array<i32>} : memref<1x64xf32, #tpu.memory_space<vmem>>, vector<1x64xf32>,
      %dma_start3A = arith.constant 0 : i32
      %dma_start3A_93 = arith.constant 0 : i32
      %dma_start3A_94 = arith.constant 0 : i32
      %dma_start3A_95 = tpu.memref_slice %arg7[%dma_start3A_93, %dma_start3A_94] : memref<2x2x!tpu.dma_semaphore, #tpu.memory_space<semaphore_mem>> -> memref<1x1x!tpu.dma_semaphore, #tpu.memory_space<semaphore_mem>>
      %dma_start3A_96 = tpu.memref_squeeze %dma_start3A_95 : memref<1x1x!tpu.dma_semaphore, #tpu.memory_space<semaphore_mem>> -> memref<!tpu.dma_semaphore, #tpu.memory_space<semaphore_mem>>
      %dma_start3A_97 = arith.constant 0 : i32
      %dma_start3A_98 = arith.constant 0 : i32
      %dma_start3A_99 = tpu.memref_slice %arg6[%dma_start3A, %dma_start3A_97, %dma_start3A_98] : memref<2x2048x2048xf32, #tpu.memory_space<vmem>> -> memref<1x2048x1024xf32, #tpu.memory_space<vmem>>
      %dma_start3A_100 = tpu.memref_squeeze %dma_start3A_99 : memref<1x2048x1024xf32, #tpu.memory_space<vmem>> -> memref<2048x1024xf32, #tpu.memory_space<vmem>>
      %dma_start3A_101 = arith.constant 0 : i32
      %dma_start3A_102 = arith.constant 0 : i32
      %dma_start3A_103 = tpu.memref_slice %arg1[%dma_start3A_101, %dma_start3A_102] : memref<8192x2048xf32, #tpu.memory_space<hbm>> -> memref<2048x1024xf32, #tpu.memory_space<hbm>>
      tpu.enqueue_dma source(%dma_start3A_103 : memref<2048x1024xf32, #tpu.memory_space<hbm>>) target(%dma_start3A_100 : memref<2048x1024xf32, #tpu.memory_space<vmem>>) target_semaphore(%dma_start3A_96 : memref<!tpu.dma_semaphore, #tpu.memory_space<semaphore_mem>>)
      %dma_start3A_104 = arith.constant 0 : i32
      %dma_start3A_105 = arith.constant 0 : i32
      %dma_start3A_106 = arith.constant 1 : i32
      %dma_start3A_107 = tpu.memref_slice %arg7[%dma_start3A_105, %dma_start3A_106] : memref<2x2x!tpu.dma_semaphore, #tpu.memory_space<semaphore_mem>> -> memref<1x1x!tpu.dma_semaphore, #tpu.memory_space<semaphore_mem>>
      %dma_start3A_108 = tpu.memref_squeeze %dma_start3A_107 : memref<1x1x!tpu.dma_semaphore, #tpu.memory_space<semaphore_mem>> -> memref<!tpu.dma_semaphore, #tpu.memory_space<semaphore_mem>>
      %dma_start3A_109 = arith.constant 0 : i32
      %dma_start3A_110 = arith.constant 1024 : i32
      %dma_start3A_111 = tpu.memref_slice %arg6[%dma_start3A_104, %dma_start3A_109, %dma_start3A_110] : memref<2x2048x2048xf32, #tpu.memory_space<vmem>> -> memref<1x2048x1024xf32, #tpu.memory_space<vmem>>
      %dma_start3A_112 = tpu.memref_squeeze %dma_start3A_111 : memref<1x2048x1024xf32, #tpu.memory_space<vmem>> -> memref<2048x1024xf32, #tpu.memory_space<vmem>>
      %dma_start3A_113 = arith.constant 0 : i32
      %dma_start3A_114 = arith.constant 1024 : i32
      %dma_start3A_115 = tpu.memref_slice %arg1[%dma_start3A_113, %dma_start3A_114] : memref<8192x2048xf32, #tpu.memory_space<hbm>> -> memref<2048x1024xf32, #tpu.memory_space<hbm>>
      tpu.enqueue_dma source(%dma_start3A_115 : memref<2048x1024xf32, #tpu.memory_space<hbm>>) target(%dma_start3A_112 : memref<2048x1024xf32, #tpu.memory_space<vmem>>) target_semaphore(%dma_start3A_108 : memref<!tpu.dma_semaphore, #tpu.memory_space<semaphore_mem>>)
    } else {
    }
    %jit3A = arith.constant 2 : i32
    %eq3A_2 = arith.constant 0 : i32
    %eq3A_3 = arith.cmpi eq, %jit3A, %eq3A_2 : i32
    %jit3A_4 = arith.constant 1 : i32
    %select_n3A = arith.select %eq3A_3, %jit3A_4, %jit3A : i32
    %rem3A = arith.remsi %arg0, %select_n3A : i32
    %ne3A = arith.constant 0 : i32
    %ne3A_5 = arith.cmpi ne, %rem3A, %ne3A : i32
    %lt3A = arith.constant 0 : i32
    %lt3A_6 = arith.cmpi slt, %rem3A, %lt3A : i32
    %lt3A_7 = arith.constant 0 : i32
    %lt3A_8 = arith.cmpi slt, %select_n3A, %lt3A_7 : i32
    %ne3A_9 = arith.xori %lt3A_6, %lt3A_8 : i1
    %and3A = arith.andi %ne3A_9, %ne3A_5 : i1
    %add3A = arith.addi %rem3A, %select_n3A : i32
    %select_n3A_10 = arith.select %and3A, %add3A, %rem3A : i32
    %eq3A_11 = arith.constant 0 : i32
    %eq3A_12 = arith.cmpi eq, %select_n3A_10, %eq3A_11 : i32
    %lt3A_13 = arith.constant 3 : i32
    %lt3A_14 = arith.cmpi slt, %arg0, %lt3A_13 : i32
    %and3A_15 = arith.andi %eq3A_12, %lt3A_14 : i1
    %convert_element_type3A_16 = arith.extui %and3A_15 : i1 to i32
    %cond3A_17 = arith.constant 0 : i32
    %cond3A_18 = arith.cmpi ne, %convert_element_type3A_16, %cond3A_17 : i32
    scf.if %cond3A_18 {
      %add3A_85 = arith.constant 1 : i32
      %add3A_86 = arith.addi %arg0, %add3A_85 : i32
      %mul3A = arith.constant 2048 : i32
      %mul3A_87 = arith.muli %add3A_86, %mul3A : i32
      %dma_start3A = arith.constant 1 : i32
      %dma_start3A_88 = arith.constant 1 : i32
      %dma_start3A_89 = arith.constant 0 : i32
      %dma_start3A_90 = tpu.memref_slice %arg7[%dma_start3A_88, %dma_start3A_89] : memref<2x2x!tpu.dma_semaphore, #tpu.memory_space<semaphore_mem>> -> memref<1x1x!tpu.dma_semaphore, #tpu.memory_space<semaphore_mem>>
      %dma_start3A_91 = tpu.memref_squeeze %dma_start3A_90 : memref<1x1x!tpu.dma_semaphore, #tpu.memory_space<semaphore_mem>> -> memref<!tpu.dma_semaphore, #tpu.memory_space<semaphore_mem>>
      %dma_start3A_92 = arith.constant 0 : i32
      %dma_start3A_93 = arith.constant 0 : i32
      %dma_start3A_94 = tpu.memref_slice %arg6[%dma_start3A, %dma_start3A_92, %dma_start3A_93] : memref<2x2048x2048xf32, #tpu.memory_space<vmem>> -> memref<1x2048x1024xf32, #tpu.memory_space<vmem>>
      %dma_start3A_95 = tpu.memref_squeeze %dma_start3A_94 : memref<1x2048x1024xf32, #tpu.memory_space<vmem>> -> memref<2048x1024xf32, #tpu.memory_space<vmem>>
      %dma_start3A_96 = arith.constant 0 : i32
      %dma_start3A_97 = tpu.memref_slice %arg1[%mul3A_87, %dma_start3A_96] : memref<8192x2048xf32, #tpu.memory_space<hbm>> -> memref<2048x1024xf32, #tpu.memory_space<hbm>>
      tpu.enqueue_dma source(%dma_start3A_97 : memref<2048x1024xf32, #tpu.memory_space<hbm>>) target(%dma_start3A_95 : memref<2048x1024xf32, #tpu.memory_space<vmem>>) target_semaphore(%dma_start3A_91 : memref<!tpu.dma_semaphore, #tpu.memory_space<semaphore_mem>>)
      %mul3A_98 = arith.constant 2048 : i32
      %mul3A_99 = arith.muli %add3A_86, %mul3A_98 : i32
      %dma_start3A_100 = arith.constant 1 : i32
      %dma_start3A_101 = arith.constant 1 : i32
      %dma_start3A_102 = arith.constant 1 : i32
      %dma_start3A_103 = tpu.memref_slice %arg7[%dma_start3A_101, %dma_start3A_102] : memref<2x2x!tpu.dma_semaphore, #tpu.memory_space<semaphore_mem>> -> memref<1x1x!tpu.dma_semaphore, #tpu.memory_space<semaphore_mem>>
      %dma_start3A_104 = tpu.memref_squeeze %dma_start3A_103 : memref<1x1x!tpu.dma_semaphore, #tpu.memory_space<semaphore_mem>> -> memref<!tpu.dma_semaphore, #tpu.memory_space<semaphore_mem>>
      %dma_start3A_105 = arith.constant 0 : i32
      %dma_start3A_106 = arith.constant 1024 : i32
      %dma_start3A_107 = tpu.memref_slice %arg6[%dma_start3A_100, %dma_start3A_105, %dma_start3A_106] : memref<2x2048x2048xf32, #tpu.memory_space<vmem>> -> memref<1x2048x1024xf32, #tpu.memory_space<vmem>>
      %dma_start3A_108 = tpu.memref_squeeze %dma_start3A_107 : memref<1x2048x1024xf32, #tpu.memory_space<vmem>> -> memref<2048x1024xf32, #tpu.memory_space<vmem>>
      %dma_start3A_109 = arith.constant 1024 : i32
      %dma_start3A_110 = tpu.memref_slice %arg1[%mul3A_99, %dma_start3A_109] : memref<8192x2048xf32, #tpu.memory_space<hbm>> -> memref<2048x1024xf32, #tpu.memory_space<hbm>>
      tpu.enqueue_dma source(%dma_start3A_110 : memref<2048x1024xf32, #tpu.memory_space<hbm>>) target(%dma_start3A_108 : memref<2048x1024xf32, #tpu.memory_space<vmem>>) target_semaphore(%dma_start3A_104 : memref<!tpu.dma_semaphore, #tpu.memory_space<semaphore_mem>>)
    } else {
    }
    %jit3A_19 = arith.constant 2 : i32
    %eq3A_20 = arith.constant 0 : i32
    %eq3A_21 = arith.cmpi eq, %jit3A_19, %eq3A_20 : i32
    %jit3A_22 = arith.constant 1 : i32
    %select_n3A_23 = arith.select %eq3A_21, %jit3A_22, %jit3A_19 : i32
    %rem3A_24 = arith.remsi %arg0, %select_n3A_23 : i32
    %ne3A_25 = arith.constant 0 : i32
    %ne3A_26 = arith.cmpi ne, %rem3A_24, %ne3A_25 : i32
    %lt3A_27 = arith.constant 0 : i32
    %lt3A_28 = arith.cmpi slt, %rem3A_24, %lt3A_27 : i32
    %lt3A_29 = arith.constant 0 : i32
    %lt3A_30 = arith.cmpi slt, %select_n3A_23, %lt3A_29 : i32
    %ne3A_31 = arith.xori %lt3A_28, %lt3A_30 : i1
    %and3A_32 = arith.andi %ne3A_31, %ne3A_26 : i1
    %add3A_33 = arith.addi %rem3A_24, %select_n3A_23 : i32
    %select_n3A_34 = arith.select %and3A_32, %add3A_33, %rem3A_24 : i32
    %eq3A_35 = arith.constant 1 : i32
    %eq3A_36 = arith.cmpi eq, %select_n3A_34, %eq3A_35 : i32
    %lt3A_37 = arith.constant 3 : i32
    %lt3A_38 = arith.cmpi slt, %arg0, %lt3A_37 : i32
    %and3A_39 = arith.andi %eq3A_36, %lt3A_38 : i1
    %convert_element_type3A_40 = arith.extui %and3A_39 : i1 to i32
    %cond3A_41 = arith.constant 0 : i32
    %cond3A_42 = arith.cmpi ne, %convert_element_type3A_40, %cond3A_41 : i32
    scf.if %cond3A_42 {
      %add3A_85 = arith.constant 1 : i32
      %add3A_86 = arith.addi %arg0, %add3A_85 : i32
      %mul3A = arith.constant 2048 : i32
      %mul3A_87 = arith.muli %add3A_86, %mul3A : i32
      %dma_start3A = arith.constant 0 : i32
      %dma_start3A_88 = arith.constant 0 : i32
      %dma_start3A_89 = arith.constant 0 : i32
      %dma_start3A_90 = tpu.memref_slice %arg7[%dma_start3A_88, %dma_start3A_89] : memref<2x2x!tpu.dma_semaphore, #tpu.memory_space<semaphore_mem>> -> memref<1x1x!tpu.dma_semaphore, #tpu.memory_space<semaphore_mem>>
      %dma_start3A_91 = tpu.memref_squeeze %dma_start3A_90 : memref<1x1x!tpu.dma_semaphore, #tpu.memory_space<semaphore_mem>> -> memref<!tpu.dma_semaphore, #tpu.memory_space<semaphore_mem>>
      %dma_start3A_92 = arith.constant 0 : i32
      %dma_start3A_93 = arith.constant 0 : i32
      %dma_start3A_94 = tpu.memref_slice %arg6[%dma_start3A, %dma_start3A_92, %dma_start3A_93] : memref<2x2048x2048xf32, #tpu.memory_space<vmem>> -> memref<1x2048x1024xf32, #tpu.memory_space<vmem>>
      %dma_start3A_95 = tpu.memref_squeeze %dma_start3A_94 : memref<1x2048x1024xf32, #tpu.memory_space<vmem>> -> memref<2048x1024xf32, #tpu.memory_space<vmem>>
      %dma_start3A_96 = arith.constant 0 : i32
      %dma_start3A_97 = tpu.memref_slice %arg1[%mul3A_87, %dma_start3A_96] : memref<8192x2048xf32, #tpu.memory_space<hbm>> -> memref<2048x1024xf32, #tpu.memory_space<hbm>>
      tpu.enqueue_dma source(%dma_start3A_97 : memref<2048x1024xf32, #tpu.memory_space<hbm>>) target(%dma_start3A_95 : memref<2048x1024xf32, #tpu.memory_space<vmem>>) target_semaphore(%dma_start3A_91 : memref<!tpu.dma_semaphore, #tpu.memory_space<semaphore_mem>>)
      %mul3A_98 = arith.constant 2048 : i32
      %mul3A_99 = arith.muli %add3A_86, %mul3A_98 : i32
      %dma_start3A_100 = arith.constant 0 : i32
      %dma_start3A_101 = arith.constant 0 : i32
      %dma_start3A_102 = arith.constant 1 : i32
      %dma_start3A_103 = tpu.memref_slice %arg7[%dma_start3A_101, %dma_start3A_102] : memref<2x2x!tpu.dma_semaphore, #tpu.memory_space<semaphore_mem>> -> memref<1x1x!tpu.dma_semaphore, #tpu.memory_space<semaphore_mem>>
      %dma_start3A_104 = tpu.memref_squeeze %dma_start3A_103 : memref<1x1x!tpu.dma_semaphore, #tpu.memory_space<semaphore_mem>> -> memref<!tpu.dma_semaphore, #tpu.memory_space<semaphore_mem>>
      %dma_start3A_105 = arith.constant 0 : i32
      %dma_start3A_106 = arith.constant 1024 : i32
      %dma_start3A_107 = tpu.memref_slice %arg6[%dma_start3A_100, %dma_start3A_105, %dma_start3A_106] : memref<2x2048x2048xf32, #tpu.memory_space<vmem>> -> memref<1x2048x1024xf32, #tpu.memory_space<vmem>>
      %dma_start3A_108 = tpu.memref_squeeze %dma_start3A_107 : memref<1x2048x1024xf32, #tpu.memory_space<vmem>> -> memref<2048x1024xf32, #tpu.memory_space<vmem>>
      %dma_start3A_109 = arith.constant 1024 : i32
      %dma_start3A_110 = tpu.memref_slice %arg1[%mul3A_99, %dma_start3A_109] : memref<8192x2048xf32, #tpu.memory_space<hbm>> -> memref<2048x1024xf32, #tpu.memory_space<hbm>>
      tpu.enqueue_dma source(%dma_start3A_110 : memref<2048x1024xf32, #tpu.memory_space<hbm>>) target(%dma_start3A_108 : memref<2048x1024xf32, #tpu.memory_space<vmem>>) target_semaphore(%dma_start3A_104 : memref<!tpu.dma_semaphore, #tpu.memory_space<semaphore_mem>>)
    } else {
    }
    %jit3A_43 = arith.constant 2 : i32
    %eq3A_44 = arith.constant 0 : i32
    %eq3A_45 = arith.cmpi eq, %jit3A_43, %eq3A_44 : i32
    %jit3A_46 = arith.constant 1 : i32
    %select_n3A_47 = arith.select %eq3A_45, %jit3A_46, %jit3A_43 : i32
    %rem3A_48 = arith.remsi %arg0, %select_n3A_47 : i32
    %ne3A_49 = arith.constant 0 : i32
    %ne3A_50 = arith.cmpi ne, %rem3A_48, %ne3A_49 : i32
    %lt3A_51 = arith.constant 0 : i32
    %lt3A_52 = arith.cmpi slt, %rem3A_48, %lt3A_51 : i32
    %lt3A_53 = arith.constant 0 : i32
    %lt3A_54 = arith.cmpi slt, %select_n3A_47, %lt3A_53 : i32
    %ne3A_55 = arith.xori %lt3A_52, %lt3A_54 : i1
    %and3A_56 = arith.andi %ne3A_55, %ne3A_50 : i1
    %add3A_57 = arith.addi %rem3A_48, %select_n3A_47 : i32
    %select_n3A_58 = arith.select %and3A_56, %add3A_57, %rem3A_48 : i32
    %eq3A_59 = arith.constant 0 : i32
    %eq3A_60 = arith.cmpi eq, %select_n3A_58, %eq3A_59 : i32
    %convert_element_type3A_61 = arith.extui %eq3A_60 : i1 to i32
    %cond3A_62 = arith.constant 0 : i32
    %cond3A_63 = arith.cmpi ne, %convert_element_type3A_61, %cond3A_62 : i32
    scf.if %cond3A_63 {
      %mul3A = arith.constant 2048 : i32
      %mul3A_85 = arith.muli %arg0, %mul3A : i32
      %dma_wait3A = arith.constant 0 : i32
      %dma_wait3A_86 = arith.constant 0 : i32
      %dma_wait3A_87 = arith.constant 0 : i32
      %dma_wait3A_88 = tpu.memref_slice %arg7[%dma_wait3A_86, %dma_wait3A_87] : memref<2x2x!tpu.dma_semaphore, #tpu.memory_space<semaphore_mem>> -> memref<1x1x!tpu.dma_semaphore, #tpu.memory_space<semaphore_mem>>
      %dma_wait3A_89 = tpu.memref_squeeze %dma_wait3A_88 : memref<1x1x!tpu.dma_semaphore, #tpu.memory_space<semaphore_mem>> -> memref<!tpu.dma_semaphore, #tpu.memory_space<semaphore_mem>>
      %dma_wait3A_90 = arith.constant 0 : i32
      %dma_wait3A_91 = arith.constant 0 : i32
      %dma_wait3A_92 = tpu.memref_slice %arg6[%dma_wait3A, %dma_wait3A_90, %dma_wait3A_91] : memref<2x2048x2048xf32, #tpu.memory_space<vmem>> -> memref<1x2048x1024xf32, #tpu.memory_space<vmem>>
      %dma_wait3A_93 = tpu.memref_squeeze %dma_wait3A_92 : memref<1x2048x1024xf32, #tpu.memory_space<vmem>> -> memref<2048x1024xf32, #tpu.memory_space<vmem>>
      %dma_wait3A_94 = arith.constant 0 : i32
      %dma_wait3A_95 = tpu.memref_slice %arg1[%mul3A_85, %dma_wait3A_94] : memref<8192x2048xf32, #tpu.memory_space<hbm>> -> memref<2048x1024xf32, #tpu.memory_space<hbm>>
      tpu.wait_dma2 semaphore(%dma_wait3A_89 : memref<!tpu.dma_semaphore, #tpu.memory_space<semaphore_mem>>) src(%dma_wait3A_95 : memref<2048x1024xf32, #tpu.memory_space<hbm>>) dst(%dma_wait3A_93 : memref<2048x1024xf32, #tpu.memory_space<vmem>>)
      %mul3A_96 = arith.constant 2048 : i32
      %mul3A_97 = arith.muli %arg0, %mul3A_96 : i32
      %dma_wait3A_98 = arith.constant 0 : i32
      %dma_wait3A_99 = arith.constant 0 : i32
      %dma_wait3A_100 = arith.constant 1 : i32
      %dma_wait3A_101 = tpu.memref_slice %arg7[%dma_wait3A_99, %dma_wait3A_100] : memref<2x2x!tpu.dma_semaphore, #tpu.memory_space<semaphore_mem>> -> memref<1x1x!tpu.dma_semaphore, #tpu.memory_space<semaphore_mem>>
      %dma_wait3A_102 = tpu.memref_squeeze %dma_wait3A_101 : memref<1x1x!tpu.dma_semaphore, #tpu.memory_space<semaphore_mem>> -> memref<!tpu.dma_semaphore, #tpu.memory_space<semaphore_mem>>
      %dma_wait3A_103 = arith.constant 0 : i32
      %dma_wait3A_104 = arith.constant 1024 : i32
      %dma_wait3A_105 = tpu.memref_slice %arg6[%dma_wait3A_98, %dma_wait3A_103, %dma_wait3A_104] : memref<2x2048x2048xf32, #tpu.memory_space<vmem>> -> memref<1x2048x1024xf32, #tpu.memory_space<vmem>>
      %dma_wait3A_106 = tpu.memref_squeeze %dma_wait3A_105 : memref<1x2048x1024xf32, #tpu.memory_space<vmem>> -> memref<2048x1024xf32, #tpu.memory_space<vmem>>
      %dma_wait3A_107 = arith.constant 1024 : i32
      %dma_wait3A_108 = tpu.memref_slice %arg1[%mul3A_97, %dma_wait3A_107] : memref<8192x2048xf32, #tpu.memory_space<hbm>> -> memref<2048x1024xf32, #tpu.memory_space<hbm>>
      tpu.wait_dma2 semaphore(%dma_wait3A_102 : memref<!tpu.dma_semaphore, #tpu.memory_space<semaphore_mem>>) src(%dma_wait3A_108 : memref<2048x1024xf32, #tpu.memory_space<hbm>>) dst(%dma_wait3A_106 : memref<2048x1024xf32, #tpu.memory_space<vmem>>)
      %get3A = arith.constant 0 : index
      %get3A_109 = arith.constant 0 : index
      %get3A_110 = arith.constant 0 : index
      %get3A_111 = vector.load %arg6[%get3A, %get3A_109, %get3A_110] : memref<2x2048x2048xf32, #tpu.memory_space<vmem>>, vector<1x2048x1024xf32>
      %get3A_112 = vector.shape_cast %get3A_111 : vector<1x2048x1024xf32> to vector<2048x1024xf32>
      %get3A_113 = arith.constant 0 : index
      %get3A_114 = arith.constant 0 : index
      %get3A_115 = vector.load %arg2[%get3A_113, %get3A_114] : memref<2048x64xf32, #tpu.memory_space<vmem>>, vector<1024x64xf32>
      %dot_general3A = arith.constant dense<0.000000e+00> : vector<2048x64xf32>
      %dot_general3A_116 = tpu.matmul %get3A_112, %get3A_115, %dot_general3A {dimension_numbers = #tpu.dot_dimension_numbers<[1], [0], [0], [1], [0, 0, 1, 1], [], []>, transpose_lhs_hint = false} : vector<2048x1024xf32>, vector<1024x64xf32>, vector<2048x64xf32> -> vector<2048x64xf32>
      %get3A_117 = arith.constant 0 : index
      %get3A_118 = arith.constant 0 : index
      %get3A_119 = arith.constant 1024 : index
      %get3A_120 = vector.load %arg6[%get3A_117, %get3A_118, %get3A_119] : memref<2x2048x2048xf32, #tpu.memory_space<vmem>>, vector<1x2048x1024xf32>
      %get3A_121 = vector.shape_cast %get3A_120 : vector<1x2048x1024xf32> to vector<2048x1024xf32>
      %get3A_122 = arith.constant 1024 : index
      %get3A_123 = arith.constant 0 : index
      %get3A_124 = vector.load %arg2[%get3A_122, %get3A_123] : memref<2048x64xf32, #tpu.memory_space<vmem>>, vector<1024x64xf32>
      %dot_general3A_125 = arith.constant dense<0.000000e+00> : vector<2048x64xf32>
      %dot_general3A_126 = tpu.matmul %get3A_121, %get3A_124, %dot_general3A_125 {dimension_numbers = #tpu.dot_dimension_numbers<[1], [0], [0], [1], [0, 0, 1, 1], [], []>, transpose_lhs_hint = false} : vector<2048x1024xf32>, vector<1024x64xf32>, vector<2048x64xf32> -> vector<2048x64xf32>
      %add3A_127 = arith.addf %dot_general3A_116, %dot_general3A_126 : vector<2048x64xf32>
      %reduce_max3A = arith.constant dense<0xFF800000> : vector<2048xf32>
      %reduce_max3A_128 = vector.multi_reduction <maximumf>, %add3A_127, %reduce_max3A [1] : vector<2048x64xf32> to vector<2048xf32>
      %broadcast_in_dim3A = vector.shape_cast %reduce_max3A_128 : vector<2048xf32> to vector<2048x1xf32>
      %iota3A = tpu.iota {dimensions = array<i32: 1>} : vector<2048x64xi32>
      %eq3A_129 = vector.broadcast %broadcast_in_dim3A : vector<2048x1xf32> to vector<2048x64xf32>
      %eq3A_130 = arith.cmpf oeq, %add3A_127, %eq3A_129 : vector<2048x64xf32>
      %jit3A_131 = arith.constant 64 : i32
      %broadcast_in_dim3A_132 = vector.broadcast %jit3A_131 : i32 to vector<2048x64xi32>
      %select_n3A_133 = arith.select %eq3A_130, %iota3A, %broadcast_in_dim3A_132 : vector<2048x64xi1>, vector<2048x64xi32>
      %reduce_min3A = arith.constant dense<2147483647> : vector<2048xi32>
      %reduce_min3A_134 = vector.multi_reduction <minsi>, %select_n3A_133, %reduce_min3A [1] : vector<2048x64xi32> to vector<2048xi32>
      %broadcast_in_dim3A_135 = vector.shape_cast %reduce_min3A_134 : vector<2048xi32> to vector<2048x1xi32>
      %eq3A_136 = vector.broadcast %broadcast_in_dim3A_135 : vector<2048x1xi32> to vector<2048x64xi32>
      %eq3A_137 = arith.cmpi eq, %iota3A, %eq3A_136 : vector<2048x64xi32>
      %convert_element_type3A_138 = arith.extui %eq3A_137 : vector<2048x64xi1> to vector<2048x64xi32>
      %convert_element_type3A_139 = arith.sitofp %convert_element_type3A_138 : vector<2048x64xi32> to vector<2048x64xf32>
      %sub3A = vector.broadcast %broadcast_in_dim3A : vector<2048x1xf32> to vector<2048x64xf32>
      %sub3A_140 = arith.subf %add3A_127, %sub3A : vector<2048x64xf32>
      %exp3A = math.exp %sub3A_140 : vector<2048x64xf32>
      %reduce_sum3A = arith.constant dense<0.000000e+00> : vector<2048xf32>
      %reduce_sum3A_141 = vector.multi_reduction <add>, %exp3A, %reduce_sum3A [1] : vector<2048x64xf32> to vector<2048xf32>
      %broadcast_in_dim3A_142 = vector.shape_cast %reduce_sum3A_141 : vector<2048xf32> to vector<2048x1xf32>
      %div3A = vector.broadcast %broadcast_in_dim3A_142 : vector<2048x1xf32> to vector<2048x64xf32>
      %div3A_143 = arith.divf %exp3A, %div3A : vector<2048x64xf32>
      %iota3A_144 = tpu.iota {dimensions = array<i32: 0>} : vector<512x512xi32>
      %iota3A_145 = tpu.iota {dimensions = array<i32: 1>} : vector<512x512xi32>
      %le3A = arith.cmpi sle, %iota3A_145, %iota3A_144 : vector<512x512xi32>
      %convert_element_type3A_146 = arith.extui %le3A : vector<512x512xi1> to vector<512x512xi32>
      %convert_element_type3A_147 = arith.sitofp %convert_element_type3A_146 : vector<512x512xi32> to vector<512x512xf32>
      %get3A_148 = arith.constant 0 : index
      %get3A_149 = arith.constant 0 : index
      %get3A_150 = vector.load %arg8[%get3A_148, %get3A_149] : memref<1x64xf32, #tpu.memory_space<vmem>>, vector<1x64xf32>
      %slice3A = vector.extract_strided_slice %convert_element_type3A_139 {offsets = [0, 0], sizes = [512, 64], strides = [1, 1]} : vector<2048x64xf32> to vector<512x64xf32>
      %dot_general3A_151 = arith.constant dense<0.000000e+00> : vector<512x64xf32>
      %dot_general3A_152 = tpu.matmul %convert_element_type3A_147, %slice3A, %dot_general3A_151 {dimension_numbers = #tpu.dot_dimension_numbers<[1], [0], [0], [1], [0, 0, 1, 1], [], []>, transpose_lhs_hint = false} : vector<512x512xf32>, vector<512x64xf32>, vector<512x64xf32> -> vector<512x64xf32>
      %add3A_153 = vector.broadcast %get3A_150 : vector<1x64xf32> to vector<512x64xf32>
      %add3A_154 = arith.addf %dot_general3A_152, %add3A_153 : vector<512x64xf32>
      %reduce_sum3A_155 = arith.constant dense<0.000000e+00> : vector<64xf32>
      %reduce_sum3A_156 = vector.multi_reduction <add>, %slice3A, %reduce_sum3A_155 [0] : vector<512x64xf32> to vector<64xf32>
      %broadcast_in_dim3A_157 = vector.shape_cast %reduce_sum3A_156 : vector<64xf32> to vector<1x64xf32>
      %add3A_158 = arith.addf %get3A_150, %broadcast_in_dim3A_157 : vector<1x64xf32>
      %slice3A_159 = vector.extract_strided_slice %convert_element_type3A_139 {offsets = [512, 0], sizes = [512, 64], strides = [1, 1]} : vector<2048x64xf32> to vector<512x64xf32>
      %dot_general3A_160 = arith.constant dense<0.000000e+00> : vector<512x64xf32>
      %dot_general3A_161 = tpu.matmul %convert_element_type3A_147, %slice3A_159, %dot_general3A_160 {dimension_numbers = #tpu.dot_dimension_numbers<[1], [0], [0], [1], [0, 0, 1, 1], [], []>, transpose_lhs_hint = false} : vector<512x512xf32>, vector<512x64xf32>, vector<512x64xf32> -> vector<512x64xf32>
      %add3A_162 = vector.broadcast %add3A_158 : vector<1x64xf32> to vector<512x64xf32>
      %add3A_163 = arith.addf %dot_general3A_161, %add3A_162 : vector<512x64xf32>
      %reduce_sum3A_164 = arith.constant dense<0.000000e+00> : vector<64xf32>
      %reduce_sum3A_165 = vector.multi_reduction <add>, %slice3A_159, %reduce_sum3A_164 [0] : vector<512x64xf32> to vector<64xf32>
      %broadcast_in_dim3A_166 = vector.shape_cast %reduce_sum3A_165 : vector<64xf32> to vector<1x64xf32>
      %add3A_167 = arith.addf %add3A_158, %broadcast_in_dim3A_166 : vector<1x64xf32>
      %slice3A_168 = vector.extract_strided_slice %convert_element_type3A_139 {offsets = [1024, 0], sizes = [512, 64], strides = [1, 1]} : vector<2048x64xf32> to vector<512x64xf32>
      %dot_general3A_169 = arith.constant dense<0.000000e+00> : vector<512x64xf32>
      %dot_general3A_170 = tpu.matmul %convert_element_type3A_147, %slice3A_168, %dot_general3A_169 {dimension_numbers = #tpu.dot_dimension_numbers<[1], [0], [0], [1], [0, 0, 1, 1], [], []>, transpose_lhs_hint = false} : vector<512x512xf32>, vector<512x64xf32>, vector<512x64xf32> -> vector<512x64xf32>
      %add3A_171 = vector.broadcast %add3A_167 : vector<1x64xf32> to vector<512x64xf32>
      %add3A_172 = arith.addf %dot_general3A_170, %add3A_171 : vector<512x64xf32>
      %reduce_sum3A_173 = arith.constant dense<0.000000e+00> : vector<64xf32>
      %reduce_sum3A_174 = vector.multi_reduction <add>, %slice3A_168, %reduce_sum3A_173 [0] : vector<512x64xf32> to vector<64xf32>
      %broadcast_in_dim3A_175 = vector.shape_cast %reduce_sum3A_174 : vector<64xf32> to vector<1x64xf32>
      %add3A_176 = arith.addf %add3A_167, %broadcast_in_dim3A_175 : vector<1x64xf32>
      %slice3A_177 = vector.extract_strided_slice %convert_element_type3A_139 {offsets = [1536, 0], sizes = [512, 64], strides = [1, 1]} : vector<2048x64xf32> to vector<512x64xf32>
      %dot_general3A_178 = arith.constant dense<0.000000e+00> : vector<512x64xf32>
      %dot_general3A_179 = tpu.matmul %convert_element_type3A_147, %slice3A_177, %dot_general3A_178 {dimension_numbers = #tpu.dot_dimension_numbers<[1], [0], [0], [1], [0, 0, 1, 1], [], []>, transpose_lhs_hint = false} : vector<512x512xf32>, vector<512x64xf32>, vector<512x64xf32> -> vector<512x64xf32>
      %add3A_180 = vector.broadcast %add3A_176 : vector<1x64xf32> to vector<512x64xf32>
      %add3A_181 = arith.addf %dot_general3A_179, %add3A_180 : vector<512x64xf32>
      %reduce_sum3A_182 = arith.constant dense<0.000000e+00> : vector<64xf32>
      %reduce_sum3A_183 = vector.multi_reduction <add>, %slice3A_177, %reduce_sum3A_182 [0] : vector<512x64xf32> to vector<64xf32>
      %broadcast_in_dim3A_184 = vector.shape_cast %reduce_sum3A_183 : vector<64xf32> to vector<1x64xf32>
      %add3A_185 = arith.addf %add3A_176, %broadcast_in_dim3A_184 : vector<1x64xf32>
      %concatenate3A = tpu.concatenate %add3A_154, %add3A_163, %add3A_172, %add3A_181 in 0 : vector<512x64xf32>, vector<512x64xf32>, vector<512x64xf32>, vector<512x64xf32> -> vector<2048x64xf32>
      %sub3A_186 = arith.constant 1.000000e+00 : f32
      %sub3A_187 = vector.broadcast %sub3A_186 : f32 to vector<2048x64xf32>
      %sub3A_188 = arith.subf %concatenate3A, %sub3A_187 : vector<2048x64xf32>
      %mul3A_189 = arith.mulf %sub3A_188, %convert_element_type3A_139 : vector<2048x64xf32>
      %reduce_sum3A_190 = arith.constant dense<0.000000e+00> : vector<2048xf32>
      %reduce_sum3A_191 = vector.multi_reduction <add>, %mul3A_189, %reduce_sum3A_190 [1] : vector<2048x64xf32> to vector<2048xf32>
      %broadcast_in_dim3A_192 = vector.shape_cast %reduce_sum3A_191 : vector<2048xf32> to vector<2048x1xf32>
      %add3A_193 = arith.constant 5.000000e-01 : f32
      %add3A_194 = vector.broadcast %add3A_193 : f32 to vector<2048x1xf32>
      %add3A_195 = arith.addf %broadcast_in_dim3A_192, %add3A_194 : vector<2048x1xf32>
      %floor3A = math.floor %add3A_195 : vector<2048x1xf32>
      %convert_element_type3A_196 = arith.fptosi %floor3A : vector<2048x1xf32> to vector<2048x1xi32>
      %lt3A_197 = arith.constant 128 : i32
      %lt3A_198 = vector.broadcast %lt3A_197 : i32 to vector<2048x1xi32>
      %lt3A_199 = arith.cmpi slt, %convert_element_type3A_196, %lt3A_198 : vector<2048x1xi32>
      %mul3A_200 = arith.mulf %div3A_143, %convert_element_type3A_139 : vector<2048x64xf32>
      %reduce_sum3A_201 = arith.constant dense<0.000000e+00> : vector<2048xf32>
      %reduce_sum3A_202 = vector.multi_reduction <add>, %mul3A_200, %reduce_sum3A_201 [1] : vector<2048x64xf32> to vector<2048xf32>
      %broadcast_in_dim3A_203 = vector.shape_cast %reduce_sum3A_202 : vector<2048xf32> to vector<2048x1xf32>
      %jit3A_204 = arith.constant 0.000000e+00 : f32
      %broadcast_in_dim3A_205 = vector.broadcast %jit3A_204 : f32 to vector<2048x1xf32>
      %select_n3A_206 = arith.select %lt3A_199, %broadcast_in_dim3A_203, %broadcast_in_dim3A_205 : vector<2048x1xi1>, vector<2048x1xf32>
      %mul3A_207 = vector.broadcast %select_n3A_206 : vector<2048x1xf32> to vector<2048x64xf32>
      %mul3A_208 = arith.mulf %mul3A_207, %convert_element_type3A_139 : vector<2048x64xf32>
      %swap3A = arith.constant 0 : index
      %swap3A_209 = arith.constant 0 : index
      %swap3A_210 = vector.load %arg3[%swap3A, %swap3A_209] : memref<2048x64xf32, #tpu.memory_space<vmem>>, vector<2048x64xf32>
      tpu.vector_store %arg3[%swap3A, %swap3A_209], %mul3A_208 {strides = array<i32>} : memref<2048x64xf32, #tpu.memory_space<vmem>>, vector<2048x64xf32>,
      %mul3A_211 = arith.constant 128 : i32
      %mul3A_212 = vector.broadcast %mul3A_211 : i32 to vector<2048x1xi32>
      %mul3A_213 = arith.muli %broadcast_in_dim3A_135, %mul3A_212 : vector<2048x1xi32>
      %add3A_214 = arith.addi %mul3A_213, %convert_element_type3A_196 : vector<2048x1xi32>
      %jit3A_215 = arith.constant 8192 : i32
      %broadcast_in_dim3A_216 = vector.broadcast %jit3A_215 : i32 to vector<2048x1xi32>
      %select_n3A_217 = arith.select %lt3A_199, %add3A_214, %broadcast_in_dim3A_216 : vector<2048x1xi1>, vector<2048x1xi32>
      %reshape3A = vector.shape_cast %select_n3A_217 : vector<2048x1xi32> to vector<16x128xi32>
      %swap3A_218 = arith.constant 0 : index
      %swap3A_219 = arith.constant 0 : index
      %swap3A_220 = vector.load %arg4[%swap3A_218, %swap3A_219] : memref<16x128xi32, #tpu.memory_space<vmem>>, vector<16x128xi32>
      tpu.vector_store %arg4[%swap3A_218, %swap3A_219], %reshape3A {strides = array<i32>} : memref<16x128xi32, #tpu.memory_space<vmem>>, vector<16x128xi32>,
      %swap3A_221 = arith.constant 0 : index
      %swap3A_222 = arith.constant 0 : index
      %swap3A_223 = vector.load %arg8[%swap3A_221, %swap3A_222] : memref<1x64xf32, #tpu.memory_space<vmem>>, vector<1x64xf32>
      tpu.vector_store %arg8[%swap3A_221, %swap3A_222], %add3A_185 {strides = array<i32>} : memref<1x64xf32, #tpu.memory_space<vmem>>, vector<1x64xf32>,
      %get3A_224 = arith.constant 0 : index
      %get3A_225 = arith.constant 0 : index
      %get3A_226 = vector.load %arg9[%get3A_224, %get3A_225] : memref<1x64xf32, #tpu.memory_space<vmem>>, vector<1x64xf32>
      %reduce_sum3A_227 = arith.constant dense<0.000000e+00> : vector<64xf32>
      %reduce_sum3A_228 = vector.multi_reduction <add>, %div3A_143, %reduce_sum3A_227 [0] : vector<2048x64xf32> to vector<64xf32>
      %broadcast_in_dim3A_229 = vector.shape_cast %reduce_sum3A_228 : vector<64xf32> to vector<1x64xf32>
      %add3A_230 = arith.addf %get3A_226, %broadcast_in_dim3A_229 : vector<1x64xf32>
      %swap3A_231 = arith.constant 0 : index
      %swap3A_232 = arith.constant 0 : index
      %swap3A_233 = vector.load %arg9[%swap3A_231, %swap3A_232] : memref<1x64xf32, #tpu.memory_space<vmem>>, vector<1x64xf32>
      tpu.vector_store %arg9[%swap3A_231, %swap3A_232], %add3A_230 {strides = array<i32>} : memref<1x64xf32, #tpu.memory_space<vmem>>, vector<1x64xf32>,
      %eq3A_234 = arith.constant 3 : i32
      %eq3A_235 = arith.cmpi eq, %arg0, %eq3A_234 : i32
      %convert_element_type3A_236 = arith.extui %eq3A_235 : i1 to i32
      %cond3A_237 = arith.constant 0 : i32
      %cond3A_238 = arith.cmpi ne, %convert_element_type3A_236, %cond3A_237 : i32
      scf.if %cond3A_238 {
        %get3A_239 = arith.constant 0 : index
        %get3A_240 = arith.constant 0 : index
        %get3A_241 = vector.load %arg9[%get3A_239, %get3A_240] : memref<1x64xf32, #tpu.memory_space<vmem>>, vector<1x64xf32>
        %get3A_242 = arith.constant 0 : index
        %get3A_243 = arith.constant 0 : index
        %get3A_244 = vector.load %arg8[%get3A_242, %get3A_243] : memref<1x64xf32, #tpu.memory_space<vmem>>, vector<1x64xf32>
        %mul3A_245 = arith.mulf %get3A_241, %get3A_244 : vector<1x64xf32>
        %reduce_sum3A_246 = vector.shape_cast %mul3A_245 : vector<1x64xf32> to vector<1x1x64xf32>
        %reduce_sum3A_247 = arith.constant dense<0.000000e+00> : vector<1xf32>
        %reduce_sum3A_248 = vector.multi_reduction <add>, %reduce_sum3A_246, %reduce_sum3A_247 [1, 2] : vector<1x1x64xf32> to vector<1xf32>
        %reduce_sum3A_249 = vector.shape_cast %reduce_sum3A_248 : vector<1xf32> to vector<1x1x1xf32>
        %reduce_sum3A_250 = vector.extract %reduce_sum3A_249[0, 0, 0] : f32 from vector<1x1x1xf32>
        %mul3A_251 = arith.constant 9.53674295E-9 : f32
        %mul3A_252 = arith.mulf %reduce_sum3A_250, %mul3A_251 : f32
        %swap3A_253 = arith.constant 0 : index
        %swap3A_254 = arith.constant 0 : index
        %swap3A_255 = memref.load %arg5[%swap3A_253, %swap3A_254] : memref<1x1xf32, #tpu.memory_space<smem>>
        memref.store %mul3A_252, %arg5[%swap3A_253, %swap3A_254] : memref<1x1xf32, #tpu.memory_space<smem>>
      } else {
      }
    } else {
    }
    %jit3A_64 = arith.constant 2 : i32
    %eq3A_65 = arith.constant 0 : i32
    %eq3A_66 = arith.cmpi eq, %jit3A_64, %eq3A_65 : i32
    %jit3A_67 = arith.constant 1 : i32
    %select_n3A_68 = arith.select %eq3A_66, %jit3A_67, %jit3A_64 : i32
    %rem3A_69 = arith.remsi %arg0, %select_n3A_68 : i32
    %ne3A_70 = arith.constant 0 : i32
    %ne3A_71 = arith.cmpi ne, %rem3A_69, %ne3A_70 : i32
    %lt3A_72 = arith.constant 0 : i32
    %lt3A_73 = arith.cmpi slt, %rem3A_69, %lt3A_72 : i32
    %lt3A_74 = arith.constant 0 : i32
    %lt3A_75 = arith.cmpi slt, %select_n3A_68, %lt3A_74 : i32
    %ne3A_76 = arith.xori %lt3A_73, %lt3A_75 : i1
    %and3A_77 = arith.andi %ne3A_76, %ne3A_71 : i1
    %add3A_78 = arith.addi %rem3A_69, %select_n3A_68 : i32
    %select_n3A_79 = arith.select %and3A_77, %add3A_78, %rem3A_69 : i32
    %eq3A_80 = arith.constant 1 : i32
    %eq3A_81 = arith.cmpi eq, %select_n3A_79, %eq3A_80 : i32
    %convert_element_type3A_82 = arith.extui %eq3A_81 : i1 to i32
    %cond3A_83 = arith.constant 0 : i32
    %cond3A_84 = arith.cmpi ne, %convert_element_type3A_82, %cond3A_83 : i32
    scf.if %cond3A_84 {
      %mul3A = arith.constant 2048 : i32
      %mul3A_85 = arith.muli %arg0, %mul3A : i32
      %dma_wait3A = arith.constant 1 : i32
      %dma_wait3A_86 = arith.constant 1 : i32
      %dma_wait3A_87 = arith.constant 0 : i32
      %dma_wait3A_88 = tpu.memref_slice %arg7[%dma_wait3A_86, %dma_wait3A_87] : memref<2x2x!tpu.dma_semaphore, #tpu.memory_space<semaphore_mem>> -> memref<1x1x!tpu.dma_semaphore, #tpu.memory_space<semaphore_mem>>
      %dma_wait3A_89 = tpu.memref_squeeze %dma_wait3A_88 : memref<1x1x!tpu.dma_semaphore, #tpu.memory_space<semaphore_mem>> -> memref<!tpu.dma_semaphore, #tpu.memory_space<semaphore_mem>>
      %dma_wait3A_90 = arith.constant 0 : i32
      %dma_wait3A_91 = arith.constant 0 : i32
      %dma_wait3A_92 = tpu.memref_slice %arg6[%dma_wait3A, %dma_wait3A_90, %dma_wait3A_91] : memref<2x2048x2048xf32, #tpu.memory_space<vmem>> -> memref<1x2048x1024xf32, #tpu.memory_space<vmem>>
      %dma_wait3A_93 = tpu.memref_squeeze %dma_wait3A_92 : memref<1x2048x1024xf32, #tpu.memory_space<vmem>> -> memref<2048x1024xf32, #tpu.memory_space<vmem>>
      %dma_wait3A_94 = arith.constant 0 : i32
      %dma_wait3A_95 = tpu.memref_slice %arg1[%mul3A_85, %dma_wait3A_94] : memref<8192x2048xf32, #tpu.memory_space<hbm>> -> memref<2048x1024xf32, #tpu.memory_space<hbm>>
      tpu.wait_dma2 semaphore(%dma_wait3A_89 : memref<!tpu.dma_semaphore, #tpu.memory_space<semaphore_mem>>) src(%dma_wait3A_95 : memref<2048x1024xf32, #tpu.memory_space<hbm>>) dst(%dma_wait3A_93 : memref<2048x1024xf32, #tpu.memory_space<vmem>>)
      %mul3A_96 = arith.constant 2048 : i32
      %mul3A_97 = arith.muli %arg0, %mul3A_96 : i32
      %dma_wait3A_98 = arith.constant 1 : i32
      %dma_wait3A_99 = arith.constant 1 : i32
      %dma_wait3A_100 = arith.constant 1 : i32
      %dma_wait3A_101 = tpu.memref_slice %arg7[%dma_wait3A_99, %dma_wait3A_100] : memref<2x2x!tpu.dma_semaphore, #tpu.memory_space<semaphore_mem>> -> memref<1x1x!tpu.dma_semaphore, #tpu.memory_space<semaphore_mem>>
      %dma_wait3A_102 = tpu.memref_squeeze %dma_wait3A_101 : memref<1x1x!tpu.dma_semaphore, #tpu.memory_space<semaphore_mem>> -> memref<!tpu.dma_semaphore, #tpu.memory_space<semaphore_mem>>
      %dma_wait3A_103 = arith.constant 0 : i32
      %dma_wait3A_104 = arith.constant 1024 : i32
      %dma_wait3A_105 = tpu.memref_slice %arg6[%dma_wait3A_98, %dma_wait3A_103, %dma_wait3A_104] : memref<2x2048x2048xf32, #tpu.memory_space<vmem>> -> memref<1x2048x1024xf32, #tpu.memory_space<vmem>>
      %dma_wait3A_106 = tpu.memref_squeeze %dma_wait3A_105 : memref<1x2048x1024xf32, #tpu.memory_space<vmem>> -> memref<2048x1024xf32, #tpu.memory_space<vmem>>
      %dma_wait3A_107 = arith.constant 1024 : i32
      %dma_wait3A_108 = tpu.memref_slice %arg1[%mul3A_97, %dma_wait3A_107] : memref<8192x2048xf32, #tpu.memory_space<hbm>> -> memref<2048x1024xf32, #tpu.memory_space<hbm>>
      tpu.wait_dma2 semaphore(%dma_wait3A_102 : memref<!tpu.dma_semaphore, #tpu.memory_space<semaphore_mem>>) src(%dma_wait3A_108 : memref<2048x1024xf32, #tpu.memory_space<hbm>>) dst(%dma_wait3A_106 : memref<2048x1024xf32, #tpu.memory_space<vmem>>)
      %get3A = arith.constant 1 : index
      %get3A_109 = arith.constant 0 : index
      %get3A_110 = arith.constant 0 : index
      %get3A_111 = vector.load %arg6[%get3A, %get3A_109, %get3A_110] : memref<2x2048x2048xf32, #tpu.memory_space<vmem>>, vector<1x2048x1024xf32>
      %get3A_112 = vector.shape_cast %get3A_111 : vector<1x2048x1024xf32> to vector<2048x1024xf32>
      %get3A_113 = arith.constant 0 : index
      %get3A_114 = arith.constant 0 : index
      %get3A_115 = vector.load %arg2[%get3A_113, %get3A_114] : memref<2048x64xf32, #tpu.memory_space<vmem>>, vector<1024x64xf32>
      %dot_general3A = arith.constant dense<0.000000e+00> : vector<2048x64xf32>
      %dot_general3A_116 = tpu.matmul %get3A_112, %get3A_115, %dot_general3A {dimension_numbers = #tpu.dot_dimension_numbers<[1], [0], [0], [1], [0, 0, 1, 1], [], []>, transpose_lhs_hint = false} : vector<2048x1024xf32>, vector<1024x64xf32>, vector<2048x64xf32> -> vector<2048x64xf32>
      %get3A_117 = arith.constant 1 : index
      %get3A_118 = arith.constant 0 : index
      %get3A_119 = arith.constant 1024 : index
      %get3A_120 = vector.load %arg6[%get3A_117, %get3A_118, %get3A_119] : memref<2x2048x2048xf32, #tpu.memory_space<vmem>>, vector<1x2048x1024xf32>
      %get3A_121 = vector.shape_cast %get3A_120 : vector<1x2048x1024xf32> to vector<2048x1024xf32>
      %get3A_122 = arith.constant 1024 : index
      %get3A_123 = arith.constant 0 : index
      %get3A_124 = vector.load %arg2[%get3A_122, %get3A_123] : memref<2048x64xf32, #tpu.memory_space<vmem>>, vector<1024x64xf32>
      %dot_general3A_125 = arith.constant dense<0.000000e+00> : vector<2048x64xf32>
      %dot_general3A_126 = tpu.matmul %get3A_121, %get3A_124, %dot_general3A_125 {dimension_numbers = #tpu.dot_dimension_numbers<[1], [0], [0], [1], [0, 0, 1, 1], [], []>, transpose_lhs_hint = false} : vector<2048x1024xf32>, vector<1024x64xf32>, vector<2048x64xf32> -> vector<2048x64xf32>
      %add3A_127 = arith.addf %dot_general3A_116, %dot_general3A_126 : vector<2048x64xf32>
      %reduce_max3A = arith.constant dense<0xFF800000> : vector<2048xf32>
      %reduce_max3A_128 = vector.multi_reduction <maximumf>, %add3A_127, %reduce_max3A [1] : vector<2048x64xf32> to vector<2048xf32>
      %broadcast_in_dim3A = vector.shape_cast %reduce_max3A_128 : vector<2048xf32> to vector<2048x1xf32>
      %iota3A = tpu.iota {dimensions = array<i32: 1>} : vector<2048x64xi32>
      %eq3A_129 = vector.broadcast %broadcast_in_dim3A : vector<2048x1xf32> to vector<2048x64xf32>
      %eq3A_130 = arith.cmpf oeq, %add3A_127, %eq3A_129 : vector<2048x64xf32>
      %jit3A_131 = arith.constant 64 : i32
      %broadcast_in_dim3A_132 = vector.broadcast %jit3A_131 : i32 to vector<2048x64xi32>
      %select_n3A_133 = arith.select %eq3A_130, %iota3A, %broadcast_in_dim3A_132 : vector<2048x64xi1>, vector<2048x64xi32>
      %reduce_min3A = arith.constant dense<2147483647> : vector<2048xi32>
      %reduce_min3A_134 = vector.multi_reduction <minsi>, %select_n3A_133, %reduce_min3A [1] : vector<2048x64xi32> to vector<2048xi32>
      %broadcast_in_dim3A_135 = vector.shape_cast %reduce_min3A_134 : vector<2048xi32> to vector<2048x1xi32>
      %eq3A_136 = vector.broadcast %broadcast_in_dim3A_135 : vector<2048x1xi32> to vector<2048x64xi32>
      %eq3A_137 = arith.cmpi eq, %iota3A, %eq3A_136 : vector<2048x64xi32>
      %convert_element_type3A_138 = arith.extui %eq3A_137 : vector<2048x64xi1> to vector<2048x64xi32>
      %convert_element_type3A_139 = arith.sitofp %convert_element_type3A_138 : vector<2048x64xi32> to vector<2048x64xf32>
      %sub3A = vector.broadcast %broadcast_in_dim3A : vector<2048x1xf32> to vector<2048x64xf32>
      %sub3A_140 = arith.subf %add3A_127, %sub3A : vector<2048x64xf32>
      %exp3A = math.exp %sub3A_140 : vector<2048x64xf32>
      %reduce_sum3A = arith.constant dense<0.000000e+00> : vector<2048xf32>
      %reduce_sum3A_141 = vector.multi_reduction <add>, %exp3A, %reduce_sum3A [1] : vector<2048x64xf32> to vector<2048xf32>
      %broadcast_in_dim3A_142 = vector.shape_cast %reduce_sum3A_141 : vector<2048xf32> to vector<2048x1xf32>
      %div3A = vector.broadcast %broadcast_in_dim3A_142 : vector<2048x1xf32> to vector<2048x64xf32>
      %div3A_143 = arith.divf %exp3A, %div3A : vector<2048x64xf32>
      %iota3A_144 = tpu.iota {dimensions = array<i32: 0>} : vector<512x512xi32>
      %iota3A_145 = tpu.iota {dimensions = array<i32: 1>} : vector<512x512xi32>
      %le3A = arith.cmpi sle, %iota3A_145, %iota3A_144 : vector<512x512xi32>
      %convert_element_type3A_146 = arith.extui %le3A : vector<512x512xi1> to vector<512x512xi32>
      %convert_element_type3A_147 = arith.sitofp %convert_element_type3A_146 : vector<512x512xi32> to vector<512x512xf32>
      %get3A_148 = arith.constant 0 : index
      %get3A_149 = arith.constant 0 : index
      %get3A_150 = vector.load %arg8[%get3A_148, %get3A_149] : memref<1x64xf32, #tpu.memory_space<vmem>>, vector<1x64xf32>
      %slice3A = vector.extract_strided_slice %convert_element_type3A_139 {offsets = [0, 0], sizes = [512, 64], strides = [1, 1]} : vector<2048x64xf32> to vector<512x64xf32>
      %dot_general3A_151 = arith.constant dense<0.000000e+00> : vector<512x64xf32>
      %dot_general3A_152 = tpu.matmul %convert_element_type3A_147, %slice3A, %dot_general3A_151 {dimension_numbers = #tpu.dot_dimension_numbers<[1], [0], [0], [1], [0, 0, 1, 1], [], []>, transpose_lhs_hint = false} : vector<512x512xf32>, vector<512x64xf32>, vector<512x64xf32> -> vector<512x64xf32>
      %add3A_153 = vector.broadcast %get3A_150 : vector<1x64xf32> to vector<512x64xf32>
      %add3A_154 = arith.addf %dot_general3A_152, %add3A_153 : vector<512x64xf32>
      %reduce_sum3A_155 = arith.constant dense<0.000000e+00> : vector<64xf32>
      %reduce_sum3A_156 = vector.multi_reduction <add>, %slice3A, %reduce_sum3A_155 [0] : vector<512x64xf32> to vector<64xf32>
      %broadcast_in_dim3A_157 = vector.shape_cast %reduce_sum3A_156 : vector<64xf32> to vector<1x64xf32>
      %add3A_158 = arith.addf %get3A_150, %broadcast_in_dim3A_157 : vector<1x64xf32>
      %slice3A_159 = vector.extract_strided_slice %convert_element_type3A_139 {offsets = [512, 0], sizes = [512, 64], strides = [1, 1]} : vector<2048x64xf32> to vector<512x64xf32>
      %dot_general3A_160 = arith.constant dense<0.000000e+00> : vector<512x64xf32>
      %dot_general3A_161 = tpu.matmul %convert_element_type3A_147, %slice3A_159, %dot_general3A_160 {dimension_numbers = #tpu.dot_dimension_numbers<[1], [0], [0], [1], [0, 0, 1, 1], [], []>, transpose_lhs_hint = false} : vector<512x512xf32>, vector<512x64xf32>, vector<512x64xf32> -> vector<512x64xf32>
      %add3A_162 = vector.broadcast %add3A_158 : vector<1x64xf32> to vector<512x64xf32>
      %add3A_163 = arith.addf %dot_general3A_161, %add3A_162 : vector<512x64xf32>
      %reduce_sum3A_164 = arith.constant dense<0.000000e+00> : vector<64xf32>
      %reduce_sum3A_165 = vector.multi_reduction <add>, %slice3A_159, %reduce_sum3A_164 [0] : vector<512x64xf32> to vector<64xf32>
      %broadcast_in_dim3A_166 = vector.shape_cast %reduce_sum3A_165 : vector<64xf32> to vector<1x64xf32>
      %add3A_167 = arith.addf %add3A_158, %broadcast_in_dim3A_166 : vector<1x64xf32>
      %slice3A_168 = vector.extract_strided_slice %convert_element_type3A_139 {offsets = [1024, 0], sizes = [512, 64], strides = [1, 1]} : vector<2048x64xf32> to vector<512x64xf32>
      %dot_general3A_169 = arith.constant dense<0.000000e+00> : vector<512x64xf32>
      %dot_general3A_170 = tpu.matmul %convert_element_type3A_147, %slice3A_168, %dot_general3A_169 {dimension_numbers = #tpu.dot_dimension_numbers<[1], [0], [0], [1], [0, 0, 1, 1], [], []>, transpose_lhs_hint = false} : vector<512x512xf32>, vector<512x64xf32>, vector<512x64xf32> -> vector<512x64xf32>
      %add3A_171 = vector.broadcast %add3A_167 : vector<1x64xf32> to vector<512x64xf32>
      %add3A_172 = arith.addf %dot_general3A_170, %add3A_171 : vector<512x64xf32>
      %reduce_sum3A_173 = arith.constant dense<0.000000e+00> : vector<64xf32>
      %reduce_sum3A_174 = vector.multi_reduction <add>, %slice3A_168, %reduce_sum3A_173 [0] : vector<512x64xf32> to vector<64xf32>
      %broadcast_in_dim3A_175 = vector.shape_cast %reduce_sum3A_174 : vector<64xf32> to vector<1x64xf32>
      %add3A_176 = arith.addf %add3A_167, %broadcast_in_dim3A_175 : vector<1x64xf32>
      %slice3A_177 = vector.extract_strided_slice %convert_element_type3A_139 {offsets = [1536, 0], sizes = [512, 64], strides = [1, 1]} : vector<2048x64xf32> to vector<512x64xf32>
      %dot_general3A_178 = arith.constant dense<0.000000e+00> : vector<512x64xf32>
      %dot_general3A_179 = tpu.matmul %convert_element_type3A_147, %slice3A_177, %dot_general3A_178 {dimension_numbers = #tpu.dot_dimension_numbers<[1], [0], [0], [1], [0, 0, 1, 1], [], []>, transpose_lhs_hint = false} : vector<512x512xf32>, vector<512x64xf32>, vector<512x64xf32> -> vector<512x64xf32>
      %add3A_180 = vector.broadcast %add3A_176 : vector<1x64xf32> to vector<512x64xf32>
      %add3A_181 = arith.addf %dot_general3A_179, %add3A_180 : vector<512x64xf32>
      %reduce_sum3A_182 = arith.constant dense<0.000000e+00> : vector<64xf32>
      %reduce_sum3A_183 = vector.multi_reduction <add>, %slice3A_177, %reduce_sum3A_182 [0] : vector<512x64xf32> to vector<64xf32>
      %broadcast_in_dim3A_184 = vector.shape_cast %reduce_sum3A_183 : vector<64xf32> to vector<1x64xf32>
      %add3A_185 = arith.addf %add3A_176, %broadcast_in_dim3A_184 : vector<1x64xf32>
      %concatenate3A = tpu.concatenate %add3A_154, %add3A_163, %add3A_172, %add3A_181 in 0 : vector<512x64xf32>, vector<512x64xf32>, vector<512x64xf32>, vector<512x64xf32> -> vector<2048x64xf32>
      %sub3A_186 = arith.constant 1.000000e+00 : f32
      %sub3A_187 = vector.broadcast %sub3A_186 : f32 to vector<2048x64xf32>
      %sub3A_188 = arith.subf %concatenate3A, %sub3A_187 : vector<2048x64xf32>
      %mul3A_189 = arith.mulf %sub3A_188, %convert_element_type3A_139 : vector<2048x64xf32>
      %reduce_sum3A_190 = arith.constant dense<0.000000e+00> : vector<2048xf32>
      %reduce_sum3A_191 = vector.multi_reduction <add>, %mul3A_189, %reduce_sum3A_190 [1] : vector<2048x64xf32> to vector<2048xf32>
      %broadcast_in_dim3A_192 = vector.shape_cast %reduce_sum3A_191 : vector<2048xf32> to vector<2048x1xf32>
      %add3A_193 = arith.constant 5.000000e-01 : f32
      %add3A_194 = vector.broadcast %add3A_193 : f32 to vector<2048x1xf32>
      %add3A_195 = arith.addf %broadcast_in_dim3A_192, %add3A_194 : vector<2048x1xf32>
      %floor3A = math.floor %add3A_195 : vector<2048x1xf32>
      %convert_element_type3A_196 = arith.fptosi %floor3A : vector<2048x1xf32> to vector<2048x1xi32>
      %lt3A_197 = arith.constant 128 : i32
      %lt3A_198 = vector.broadcast %lt3A_197 : i32 to vector<2048x1xi32>
      %lt3A_199 = arith.cmpi slt, %convert_element_type3A_196, %lt3A_198 : vector<2048x1xi32>
      %mul3A_200 = arith.mulf %div3A_143, %convert_element_type3A_139 : vector<2048x64xf32>
      %reduce_sum3A_201 = arith.constant dense<0.000000e+00> : vector<2048xf32>
      %reduce_sum3A_202 = vector.multi_reduction <add>, %mul3A_200, %reduce_sum3A_201 [1] : vector<2048x64xf32> to vector<2048xf32>
      %broadcast_in_dim3A_203 = vector.shape_cast %reduce_sum3A_202 : vector<2048xf32> to vector<2048x1xf32>
      %jit3A_204 = arith.constant 0.000000e+00 : f32
      %broadcast_in_dim3A_205 = vector.broadcast %jit3A_204 : f32 to vector<2048x1xf32>
      %select_n3A_206 = arith.select %lt3A_199, %broadcast_in_dim3A_203, %broadcast_in_dim3A_205 : vector<2048x1xi1>, vector<2048x1xf32>
      %mul3A_207 = vector.broadcast %select_n3A_206 : vector<2048x1xf32> to vector<2048x64xf32>
      %mul3A_208 = arith.mulf %mul3A_207, %convert_element_type3A_139 : vector<2048x64xf32>
      %swap3A = arith.constant 0 : index
      %swap3A_209 = arith.constant 0 : index
      %swap3A_210 = vector.load %arg3[%swap3A, %swap3A_209] : memref<2048x64xf32, #tpu.memory_space<vmem>>, vector<2048x64xf32>
      tpu.vector_store %arg3[%swap3A, %swap3A_209], %mul3A_208 {strides = array<i32>} : memref<2048x64xf32, #tpu.memory_space<vmem>>, vector<2048x64xf32>,
      %mul3A_211 = arith.constant 128 : i32
      %mul3A_212 = vector.broadcast %mul3A_211 : i32 to vector<2048x1xi32>
      %mul3A_213 = arith.muli %broadcast_in_dim3A_135, %mul3A_212 : vector<2048x1xi32>
      %add3A_214 = arith.addi %mul3A_213, %convert_element_type3A_196 : vector<2048x1xi32>
      %jit3A_215 = arith.constant 8192 : i32
      %broadcast_in_dim3A_216 = vector.broadcast %jit3A_215 : i32 to vector<2048x1xi32>
      %select_n3A_217 = arith.select %lt3A_199, %add3A_214, %broadcast_in_dim3A_216 : vector<2048x1xi1>, vector<2048x1xi32>
      %reshape3A = vector.shape_cast %select_n3A_217 : vector<2048x1xi32> to vector<16x128xi32>
      %swap3A_218 = arith.constant 0 : index
      %swap3A_219 = arith.constant 0 : index
      %swap3A_220 = vector.load %arg4[%swap3A_218, %swap3A_219] : memref<16x128xi32, #tpu.memory_space<vmem>>, vector<16x128xi32>
      tpu.vector_store %arg4[%swap3A_218, %swap3A_219], %reshape3A {strides = array<i32>} : memref<16x128xi32, #tpu.memory_space<vmem>>, vector<16x128xi32>,
      %swap3A_221 = arith.constant 0 : index
      %swap3A_222 = arith.constant 0 : index
      %swap3A_223 = vector.load %arg8[%swap3A_221, %swap3A_222] : memref<1x64xf32, #tpu.memory_space<vmem>>, vector<1x64xf32>
      tpu.vector_store %arg8[%swap3A_221, %swap3A_222], %add3A_185 {strides = array<i32>} : memref<1x64xf32, #tpu.memory_space<vmem>>, vector<1x64xf32>,
      %get3A_224 = arith.constant 0 : index
      %get3A_225 = arith.constant 0 : index
      %get3A_226 = vector.load %arg9[%get3A_224, %get3A_225] : memref<1x64xf32, #tpu.memory_space<vmem>>, vector<1x64xf32>
      %reduce_sum3A_227 = arith.constant dense<0.000000e+00> : vector<64xf32>
      %reduce_sum3A_228 = vector.multi_reduction <add>, %div3A_143, %reduce_sum3A_227 [0] : vector<2048x64xf32> to vector<64xf32>
      %broadcast_in_dim3A_229 = vector.shape_cast %reduce_sum3A_228 : vector<64xf32> to vector<1x64xf32>
      %add3A_230 = arith.addf %get3A_226, %broadcast_in_dim3A_229 : vector<1x64xf32>
      %swap3A_231 = arith.constant 0 : index
      %swap3A_232 = arith.constant 0 : index
      %swap3A_233 = vector.load %arg9[%swap3A_231, %swap3A_232] : memref<1x64xf32, #tpu.memory_space<vmem>>, vector<1x64xf32>
      tpu.vector_store %arg9[%swap3A_231, %swap3A_232], %add3A_230 {strides = array<i32>} : memref<1x64xf32, #tpu.memory_space<vmem>>, vector<1x64xf32>,
      %eq3A_234 = arith.constant 3 : i32
      %eq3A_235 = arith.cmpi eq, %arg0, %eq3A_234 : i32
      %convert_element_type3A_236 = arith.extui %eq3A_235 : i1 to i32
      %cond3A_237 = arith.constant 0 : i32
      %cond3A_238 = arith.cmpi ne, %convert_element_type3A_236, %cond3A_237 : i32
      scf.if %cond3A_238 {
        %get3A_239 = arith.constant 0 : index
        %get3A_240 = arith.constant 0 : index
        %get3A_241 = vector.load %arg9[%get3A_239, %get3A_240] : memref<1x64xf32, #tpu.memory_space<vmem>>, vector<1x64xf32>
        %get3A_242 = arith.constant 0 : index
        %get3A_243 = arith.constant 0 : index
        %get3A_244 = vector.load %arg8[%get3A_242, %get3A_243] : memref<1x64xf32, #tpu.memory_space<vmem>>, vector<1x64xf32>
        %mul3A_245 = arith.mulf %get3A_241, %get3A_244 : vector<1x64xf32>
        %reduce_sum3A_246 = vector.shape_cast %mul3A_245 : vector<1x64xf32> to vector<1x1x64xf32>
        %reduce_sum3A_247 = arith.constant dense<0.000000e+00> : vector<1xf32>
        %reduce_sum3A_248 = vector.multi_reduction <add>, %reduce_sum3A_246, %reduce_sum3A_247 [1, 2] : vector<1x1x64xf32> to vector<1xf32>
        %reduce_sum3A_249 = vector.shape_cast %reduce_sum3A_248 : vector<1xf32> to vector<1x1x1xf32>
        %reduce_sum3A_250 = vector.extract %reduce_sum3A_249[0, 0, 0] : f32 from vector<1x1x1xf32>
        %mul3A_251 = arith.constant 9.53674295E-9 : f32
        %mul3A_252 = arith.mulf %reduce_sum3A_250, %mul3A_251 : f32
        %swap3A_253 = arith.constant 0 : index
        %swap3A_254 = arith.constant 0 : index
        %swap3A_255 = memref.load %arg5[%swap3A_253, %swap3A_254] : memref<1x1xf32, #tpu.memory_space<smem>>
        memref.store %mul3A_252, %arg5[%swap3A_253, %swap3A_254] : memref<1x1xf32, #tpu.memory_space<smem>>
      } else {
      }
    } else {
    }
    return
  }
  func.func @transform_1(%arg0: i32) -> (i32, i32) {
    %c0_i32 = arith.constant 0 : i32
    %c0_i32_0 = arith.constant 0 : i32
    %c0_i32_1 = arith.constant 0 : i32
    return %c0_i32, %c0_i32_0 : i32, i32
  }
  func.func @transform_2(%arg0: i32) -> (i32, i32) {
    %c0_i32 = arith.constant 0 : i32
    %c0_i32_0 = arith.constant 0 : i32
    return %arg0, %c0_i32 : i32, i32
  }
  func.func @transform_3(%arg0: i32) -> (i32, i32) {
    %c0_i32 = arith.constant 0 : i32
    %c0_i32_0 = arith.constant 0 : i32
    return %arg0, %c0_i32 : i32, i32
  }
  func.func @transform_4(%arg0: i32) -> (i32, i32) {
    %c0_i32 = arith.constant 0 : i32
    %c0_i32_0 = arith.constant 0 : i32
    %c0_i32_1 = arith.constant 0 : i32
    return %c0_i32, %c0_i32_0 : i32, i32
  }
}

</mosaic_0001>

<sc_bundles>
// kernel: kernel.4.cloned.1.call-start
scs
__scs_entry_jumppad:
0x0: {  	(pc) =	sbr.rel $0x88, $3  }
0x1: {  	(tag) =	ssettag $0x0;
	lr =	simm.s32 $0x1  }
0x2: {  	[smem:$0x3F9F] =	sst lr;
	_ =	strace $0xD0000000  }
0x3: {  	_ = 	snop  }
0x4: {  	_ = 	snop  }
0x5: {  	_ = 	snop  }
0x6: {  	_ = 	snop  }
0x7: {  	_ = 	snop  }
__scs_overlays_trampoline_lowered:
0x8: {  	[smem:$0x3FAE] =	sst s0  }
0x9: {  	[smem:$0x3FAF] =	sst s1  }
0xa: {  	[smem:$0x3FB0] =	sst s2  }
0xb: {  	[smem:$0x3FB1] =	sst s3  }
0xc: {  	[smem:$0x3FB2] =	sst s4  }
0xd: {  	[smem:$0x3FB3] =	sst s5  }
0xe: {  	[smem:$0x3FB4] =	sst s6  }
0xf: {  	[smem:$0x3FB5] =	sst s7  }
0x10: {  	[smem:$0x3FB6] =	sst s8  }
0x11: {  	[smem:$0x3FB7] =	sst s9;
	s0 =	simm.s32 @!p0 $0x0  }
0x12: {  	s1 =	sld [smem:$0x3F9D];
	s0 =	simm.s32 @p0 $0x1  }
0x13: {  	[smem:$0x3FB8] =	sst s0;
	s0 =	simm.s32 @!p1 $0x0  }
0x14: {  	s2 =	sld [smem:$0x3F9C];
	s0 =	simm.s32 @p1 $0x1  }
0x15: {  	[smem:$0x3FB9] =	sst s0;
	s0 =	simm.s32 @!p2 $0x0  }
0x16: {  	s3 =	sld [smem:$0x3FDB];
	s0 =	simm.s32 @p2 $0x1  }
0x17: {  	s4 =	simm.s32 $0x1BF5;
	[smem:$0x3FBB] =	sst s0  }
0x18: {  	s0 =	sld [smem:$0x3F9E];
	_ =	swait.ge [sflag:s4], $0x0  }
0x19: {  	s7 =	sld [smem:$0x3F9F]  }
0x1a: {  	s8 =	sadd.s32 $0xFFFFE003, lr  }
0x1b: {  	s9 =	sadd.s32 $0xFFFFFEF7, lr;
	s5 =	simm.s32 $0xFFFFFFFF;
	p2 =	slt.u32 s8, $0xFFFFF086  }
0x1c: {  	p1 =	slt.u32 s9, $0xF7A;
	s5 =	simm.s32 @!p2 $0x0  }
0x1d: {  	s5 =	simm.s32 @p1 $0x1;
	p0 =	seq.s32 s7, s2  }
0x1e: {  	s7 =	smul.u32 @!p0 $0xF7A, s2;
	p2 =	seq.s32 @!p0 s5, $0x0  }
0x1f: {  	s9 =	smul.u32 $0xF7A, s1;
	s8 =	simm.s32 @!p0 $0x1BF5;
	p2 =	por !p2, p0  }
0x20: {  	[sflag:s8] =	ssyncset.s32 @!p0 $0xFFFFF086;
	s6 =	sadd.s32 @!p0 s3, s7;
	s7 =	simm.s32 @!p0 $0x108  }
0x21: {  	s3 =	sadd.s32 s3, s9;
	s6 =	sadd.s32 @!p0 $0x88, s6;
	s7 =	simm.s32 @p2 $0x1082  }
0x22: {  	[simem:s7], [sflag:s8] =	dma.local @!p0 [hbm:s6], $0xF7A  }
0x23: {  	s9 =	sor.u32 $0xD0000000, s2;
	s6 =	simm.s32 $0x108;
	_ =	swait.ge @!p0 [sflag:s8], $0x0  }
0x24: {  	s3 =	sadd.s32 $0x88, s3;
	s6 =	simm.s32 @!p1 $0x1082;
	[sflag:s4] =	ssyncset.s32 $0xFFFFF086  }
0x25: {  	[simem:s6], [sflag:s4] =	dma.local [hbm:s3], $0xF7A  }
0x26: {  	[smem:$0x3F9F] =	sst s1;
	(tag) =	ssettag s2;
	_ =	strace s9  }
0x27: {  	s1 =	sld [smem:$0x3FAF]  }
0x28: {  	s2 =	sld [smem:$0x3FB0]  }
0x29: {  	s4 =	sld [smem:$0x3FB2]  }
0x2a: {  	p0 =	seq.s32 s5, $0x0;
	s5 =	sld [smem:$0x3FB3]  }
0x2b: {  	s6 =	sld [smem:$0x3FB4]  }
0x2c: {  	s7 =	sld [smem:$0x3FB5]  }
0x2d: {  	s3 =	simm.s32 $0x108;
	s8 =	sld [smem:$0x3FB6]  }
0x2e: {  	s3 =	simm.s32 @!p0 $0x1082;
	s9 =	sld [smem:$0x3FB7]  }
0x2f: {  	lr =	sadd.s32 s0, s3;
	s0 =	sld [smem:$0x3FAE]  }
0x30: {  	s3 =	sld [smem:$0x3FB1]  }
0x31: {  	[smem:$0x3FBA] =	sst s10  }
0x32: {  	s10 =	sld [smem:$0x3FB8];
	_ =	sdelay $0x3  }
0x33: {  	p0 =	seq.s32 s10, $0x1;
	s10 =	sld [smem:$0x3FBA];
	_ =	sdelay $0x3  }
0x34: {  	[smem:$0x3FBA] =	sst s10  }
0x35: {  	s10 =	sld [smem:$0x3FB9];
	_ =	sdelay $0x3  }
0x36: {  	p1 =	seq.s32 s10, $0x1;
	s10 =	sld [smem:$0x3FBA];
	_ =	sdelay $0x3  }
0x37: {  	[smem:$0x3FBA] =	sst s10  }
0x38: {  	s10 =	sld [smem:$0x3FBB]  }
0x39: {  	_ = 	snop;
	(pc) =	sbr.ind lr, $3  }
0x3a: {  	_ = 	snop  }
0x3b: {  	_ = 	snop  }
0x3c: {  	p2 =	seq.s32 s10, $0x1;
	s10 =	sld [smem:$0x3FBA]  }
0x3d: {  	_ =	shalt  }
0x3e: {  	_ =	shalt  }
0x3f: {  	_ =	shalt  }
0x40: {  	_ =	shalt  }
0x41: {  	_ =	shalt  }
0x42: {  	_ =	shalt  }
0x43: {  	_ =	shalt  }
0x44: {  	_ =	shalt  }
0x45: {  	_ =	shalt  }
0x46: {  	_ =	shalt  }
0x47: {  	_ =	shalt  }
0x48: {  	_ =	shalt  }
0x49: {  	_ =	shalt  }
0x4a: {  	_ =	shalt  }
0x4b: {  	_ =	shalt  }
0x4c: {  	_ =	shalt  }
0x4d: {  	_ =	shalt  }
0x4e: {  	_ =	shalt  }
0x4f: {  	_ =	shalt  }
0x50: {  	_ =	shalt  }
0x51: {  	_ =	shalt  }
0x52: {  	_ =	shalt  }
0x53: {  	_ =	shalt  }
0x54: {  	_ =	shalt  }
0x55: {  	_ =	shalt  }
0x56: {  	_ =	shalt  }
0x57: {  	_ =	shalt  }
0x58: {  	_ =	shalt  }
0x59: {  	_ =	shalt  }
0x5a: {  	_ =	shalt  }
0x5b: {  	_ =	shalt  }
0x5c: {  	_ =	shalt  }
0x5d: {  	_ =	shalt  }
0x5e: {  	_ =	shalt  }
0x5f: {  	_ =	shalt  }
0x60: {  	_ =	shalt  }
0x61: {  	_ =	shalt  }
0x62: {  	_ =	shalt  }
0x63: {  	_ =	shalt  }
0x64: {  	_ =	shalt  }
0x65: {  	_ =	shalt  }
0x66: {  	_ =	shalt  }
0x67: {  	_ =	shalt  }
0x68: {  	_ =	shalt  }
0x69: {  	_ =	shalt  }
0x6a: {  	_ =	shalt  }
0x6b: {  	_ =	shalt  }
0x6c: {  	_ =	shalt  }
0x6d: {  	_ =	shalt  }
0x6e: {  	_ =	shalt  }
0x6f: {  	_ =	shalt  }
0x70: {  	_ =	shalt  }
0x71: {  	_ =	shalt  }
0x72: {  	_ =	shalt  }
0x73: {  	_ =	shalt  }
0x74: {  	_ =	shalt  }
0x75: {  	_ =	shalt  }
0x76: {  	_ =	shalt  }
0x77: {  	_ =	shalt  }
0x78: {  	_ =	shalt  }
0x79: {  	_ =	shalt  }
0x7a: {  	_ =	shalt  }
0x7b: {  	_ =	shalt  }
0x7c: {  	_ =	shalt  }
0x7d: {  	_ =	shalt  }
0x7e: {  	_ =	shalt  }
0x7f: {  	_ =	shalt  }
0x80: {  	_ =	shalt  }
0x81: {  	_ =	shalt  }
0x82: {  	_ =	shalt  }
0x83: {  	_ =	shalt  }
0x84: {  	_ =	shalt  }
0x85: {  	_ =	shalt  }
0x86: {  	_ =	shalt  }
0x87: {  	_ =	shalt  }
.Lfunc_end0:
.L_simem_size_0:
called_computation_lowered:
.L_overlay_start_0:
0x88: {  	s2 =	sld [smem:$0x3FD9]  }
0x89: {  	s3 =	sld [smem:$0x3FFE];
	_ =	sdelay $0x1  }
0x8a: {  	s1 =	srdreg.scid  }
0x8b: {  	s0 =	sand.u32 $0x1, s1  }
0x8c: {  	s14 =	sshll.u32 s0, $0xA;
	s2 =	sadd.s32 s3, s2  }
0x8d: {  	s2 =	sadd.s32 s2, s14  }
0x8e: {  	[smem:$0x3FC6] =	sst s2  }
0x8f: {  	_ = 	snop  }
0x90: {  	s2 =	sld [smem:$0x3FD0];
	_ =	sdelay $0x2  }
0x91: {  	s15 =	simm.s32 $0xA;
	s4 =	simm.s32 $0x10  }
0x92: {  	[smem:s4], [sflag:s15] =	dma.local [hbm:s2], $0x1  }
0x93: {  	_ =	swait.eq [sflag:s15], $0x1  }
0x94: {  	[sflag:s15] =	ssyncset.done $0x0  }
0x95: {  	[sflag:s15] =	ssyncadd.s32 $0xFFFFFFFF  }
0x96: {  	s16 =	sld [smem:$0x12];
	(tm) =	ssettm $0x1  }
0x97: {  	s17 =	sld [smem:$0x3FFB];
	_ =	sdelay $0x3  }
0x98: {  	_ =	strace s17  }
0x99: {  	s3 =	sld [smem:$0x3FFC];
	_ =	sdelay $0x3  }
0x9a: {  	_ =	strace s3  }
0x9b: {  	s3 =	sld [smem:$0x3FFD];
	_ =	sdelay $0x3  }
0x9c: {  	_ =	strace s3  }
0x9d: {  	_ =	strace $0x8FFFFFFF  }
0x9e: {  	s18 =	sld [smem:$0x3FDB];
	_ =	sdelay $0x1  }
0x9f: {  	s19 =	simm.s32 $_scs_section_size  }
0xa0: {  	s5 =	simm.s32 $_size__tile_overlayer_lowered;
	s6 =	simm.s32 $_tile_overlayer_lowered  }
0xa1: {  	s22 =	simm.s32 $0x1BFF;
	s21 =	sshll.u32 s6, $0x1;
	s3 =	sadd.s32 s19, s18  }
0xa2: {  	s7 =	simm.s32 $0x0;
	s20 =	sshll.u32 s5, $0x1;
	s5 =	sadd.s32 s21, s3  }
0xa3: {  	[timem:s7], [sflag:s22] =	dma.local [hbm:s5], s20  }
0xa4: {  	_ =	swait.ge [sflag:s22], s20  }
0xa5: {  	s4 =	ssub.s32 $0x0, s20;
	[sflag:s22] =	ssyncset.done $0x0  }
0xa6: {  	[sflag:s22] =	ssyncadd.s32 s4;
	_ =	sdelay $0x1  }
0xa7: {  	s23 =	simm.s32 $0x1B8B  }
0xa8: {  	_ =	swait.ge [sflag:s23], $0x1  }
0xa9: {  	[sflag:s23] =	ssyncset.done $0x0  }
0xaa: {  	s25 =	simm.s32 $0x1B8E;
	s24 =	sld [smem:$0x3FFE];
	[sflag:s23] =	ssyncadd.s32 $0xFFFFFFFF  }
0xab: {  	s26 =	simm.s32 $execute0_lowered;
	[smem:$0x3FD2] =	sst s25  }
0xac: {  	s5 =	sshll.u32 s26, $0x1;
	_ =	strace $0x80000046;
	[dreg:$0x1] =	wrdreg $0xFFFFFFFF  }
0xad: {  	s28 =	simm.s32 $_size_execute0_lowered;
	s3 =	sadd.s32 s3, s5;
	[dreg:$0x0] =	wrdreg $0x0  }
0xae: {  	s5 =	sshll.u32 s28, $0x1;
	[dreg:$0x2] =	wrdreg s3  }
0xaf: {  	[dreg:$0x3] =	wrdreg s5  }
0xb0: {  	[dreg:$0x4] =	wrdreg $0xC0  }
0xb1: {  	_ =	task [dreg:s7], $0x5FFFF  }
0xb2: {  	[dreg:$0x1] =	wrdreg $0xFFFFFFFF  }
0xb3: {  	[dreg:$0x0] =	wrdreg $0x60  }
0xb4: {  	[dreg:$0x2] =	wrdreg s16  }
0xb5: {  	[dreg:$0x3] =	wrdreg s24  }
0xb6: {  	[dreg:$0x4] =	wrdreg $0x6800  }
0xb7: {  	[dreg:$0x5] =	wrdreg $0x9  }
0xb8: {  	_ =	task.clear_ibuf [dreg:s7], $0x6FFFF;
	_ =	strace $0x90000046  }
0xb9: {  	s29 =	simm.s32 $0x9;
	_ =	strace $0x80000048  }
0xba: {  	_ =	swait.ge [sflag:s29], $0x1  }
0xbb: {  	[sflag:s29] =	ssyncadd.s32 $0xFFFFFFFF  }
0xbc: {  	_ =	strace $0x90000048  }
0xbd: {  	_ =	sfence  }
0xbe: {  	s30 =	sld [smem:$0x0];
	_ =	sdelay $0x2  }
0xbf: {  	s31 =	sshll.u32 s1, $0xD;
	s1 =	sshrl.u32 s1, $0x2  }
0xc0: {  	s3 =	sand.u32 $0x4000, s31;
	s1 =	sadd.s32 s1, s30  }
0xc1: {  	s0 =	sor.u32 s3, s0;
	s1 =	sshll.u32 s1, $0x11  }
0xc2: {  	s0 =	sor.u32 s1, s0  }
0xc3: {  	s0 =	sadd.s32 $0x8F2B, s0  }
0xc4: {  	[sflag:s0] =	ssyncadd.remote.s32 $0x1  }
0xc5: {  	_ =	sfence.sel $0xFFFF  }
0xc6: {  	[dreg:$0x0] =	wrdreg $0xFFFFFFFF;
	(pc) =	sbr.abs _section_cstart, $3  }
0xc7: {  	[dreg:$0x1] =	wrdreg $0xFFFFFFFF  }
0xc8: {  	_ =	task.clear_ibuf [dreg:s7], $0x2FFFF;
	_ =	strace $0x9FFFFFFF  }
0xc9: {  	(tm) =	ssettm $0x7FFFFFFF  }
tec
execute0_lowered:
.L_overlay_start_1:
0x0: {  	(tag) =	ssettag $0x1  }
0x1: {  	s4 =	rddreg [dreg:$0x0]  }
0x2: {  	s5 =	rddreg [dreg:$0x1]  }
0x3: {  	s0 =	stileid.u32;
	s2 =	rddreg [dreg:$0x2]  }
0x4: {  	s1 =	rddreg [dreg:$0x3];
	s3 =	simm.s32 $0x0;
	s7 =	srdreg.scid  }
0x5: {  	s6 =	smul.u32 $0x220, s0;
	[smem:$0x7FF] =	sst s3  }
0x6: {  	s9 =	sand.u32 $0x1, s7;
	s10 =	sshll.u32 s0, $0x9;
	s11 =	sshll.u32 s0, $0x6  }
0x7: {  	s31 =	smul.u32 $0x880, s0;
	_ =	strace $0x80000047;
	s25 =	ssub.s32 $0x2, s9  }
0x8: {  	s4 =	sadd.s32 s4, s11;
	s28 =	sor.u32 $0x10, s10;
	s29 =	sor.u32 $0x20, s10  }
0x9: {  	s12 =	sor.u32 $0x30, s10;
	s13 =	sor.u32 $0x40, s10;
	s14 =	sor.u32 $0x50, s10  }
0xa: {  	s15 =	sor.u32 $0x60, s10;
	s16 =	sor.u32 $0x70, s10;
	s17 =	sor.u32 $0x80, s10  }
0xb: {  	s18 =	sor.u32 $0x90, s10;
	s19 =	sor.u32 $0xA0, s10;
	s20 =	sor.u32 $0xB0, s10  }
0xc: {  	s21 =	sor.u32 $0xC0, s10;
	s22 =	sor.u32 $0xD0, s10;
	s23 =	sor.u32 $0xE0, s10  }
0xd: {  	s24 =	sor.u32 $0xF0, s10;
	s30 =	sor.u32 $0x110, s10;
	s11 =	sor.u32 $0x120, s10  }
0xe: {  	v31 =	vlaneseq.u32;
	p0 =	sne.s32 s9, $0x0;
	s9 =	simm.s32 $0x400;
	s8 =	sshrl.u32 s6, $0x3  }
0xf: {  	v32 =	vimm.s32 $0xFFFFFFFF;
	s26 =	sshrl.u32 s25, $0x1;
	v2 =	vor.u32 s12, v31;
	s12 =	sor.u32 $0x130, s10;
	v3 =	vor.u32 s13, v31;
	s13 =	sor.u32 $0x140, s10  }
0x10: {  	v4 =	vor.u32 s14, v31;
	v5 =	vor.u32 s15, v31;
	s14 =	sor.u32 $0x150, s10;
	s15 =	sor.u32 $0x160, s10;
	v6 =	vor.u32 s16, v31;
	s16 =	sor.u32 $0x170, s10  }
0x11: {  	v7 =	vor.u32 s17, v31;
	s17 =	sor.u32 $0x180, s10;
	v10 =	vor.u32 s20, v31;
	v11 =	vor.u32 s21, v31;
	s20 =	sor.u32 $0x190, s10;
	s21 =	sor.u32 $0x1A0, s10  }
0x12: {  	v0 =	vor.u32 s28, v31;
	v1 =	vor.u32 s29, v31;
	v8 =	vor.u32 s18, v31;
	s28 =	sor.u32 $0x1C0, s10;
	s29 =	sor.u32 $0x1D0, s10;
	s18 =	sshrl.u32 s31, $0x2  }
0x13: {  	v16 =	vor.u32 s10, v31;
	v9 =	vor.u32 s19, v31;
	v17 =	vor.u32 s30, v31;
	s30 =	sor.u32 $0x1E0, s10;
	s31 =	sor.u32 $0x1F0, s10;
	s6 =	sadd.s32 s6, s2  }
0x14: {  	v12 =	vor.u32 s22, v31;
	v13 =	vor.u32 s23, v31;
	v18 =	vor.u32 s11, v31;
	s11 =	simm.s32 $0x2;
	s19 =	simm.s32 $0x1;
	s7 =	sadd.s32 s8, s5  }
.Ltmp0:
0x15: {  	v14 =	vor.u32 s24, v31;
	s8 =	ssub.s32 s25, s26;
	s25 =	sor.u32 $0x100, s10;
	v19 =	vor.u32 s12, v31;
	v20 =	vor.u32 s13, v31;
	(pc) =	sbr.rel .LBB2_1-.Ltmp0, $4  }
0x16: {  	s26 =	sor.u32 $0x1B0, s10;
	s5 =	sadd.s32 s18, s2;
	v21 =	vor.u32 s14, v31;
	v22 =	vor.u32 s15, v31;
	v23 =	vor.u32 s16, v31;
	s10 =	simm.s32 $0x3  }
0x17: {  	v24 =	vor.u32 s17, v31;
	v25 =	vor.u32 s20, v31;
	v26 =	vor.u32 s21, v31;
	s12 =	simm.s32 $0x80;
	s13 =	simm.s32 $0x200;
	s14 =	simm.s32 $0x280  }
0x18: {  	v28 =	vor.u32 s28, v31;
	v29 =	vor.u32 s29, v31;
	s15 =	simm.s32 $0x100;
	s16 =	simm.s32 $0x300;
	v30 =	vor.u32 s30, v31;
	s17 =	simm.s32 $0x180  }
0x19: {  	s18 =	simm.s32 $0x380;
	v15 =	vor.u32 s25, v31;
	s7 =	sadd.s32 $0x20600, s7;
	s8 =	smax.u32 s8, $0x1;
	v27 =	vor.u32 s26, v31;
	v31 =	vor.u32 s31, v31  }
.LBB2_3:
0x1a: {  	[bflag:$0x0] =	sbarrier.arrive $0xFFFF  }
0x1b: {  	[bflag:$0x0] =	sbarrier.arrive $0xFFFF  }
.LBB2_4:
0x1c: {  	s8 =	sadd.s32 $0xFFFFFFFF, s8  }
0x1d: {  	p1 =	sne.s32 s8, $0x0  }
.Ltmp1:
0x1e: {  	_ = 	snop;
	(pc) =	sbr.rel @!p1 .LBB2_5-.Ltmp1, $1  }
0x1f: {  	_ =	sdelay $0x3  }
.LBB2_1:
.Ltmp2:
0x20: {  	(pc) =	sbr.rel @p0 .LBB2_3-.Ltmp2, $1  }
0x21: {  	_ =	sdelay $0x3  }
0x22: {  	[tilespmem:s3], [sflag:$0x2] =	stream.linear.gather [hbm4b:s4+s3], $0x200, $0x38;
	[tilespmem:$0x8A0] =	vst v63  }
0x23: {  	[tilespmem:$0x200] =	vst v16  }
0x24: {  	[tilespmem:$0x210] =	vst v0  }
0x25: {  	[tilespmem:$0x220] =	vst v1  }
0x26: {  	[tilespmem:$0x230] =	vst v2  }
0x27: {  	[tilespmem:$0x240] =	vst v3  }
0x28: {  	[tilespmem:$0x250] =	vst v4  }
0x29: {  	[tilespmem:$0x260] =	vst v5  }
0x2a: {  	[tilespmem:$0x270] =	vst v6  }
0x2b: {  	[tilespmem:$0x280] =	vst v7  }
0x2c: {  	[tilespmem:$0x290] =	vst v8  }
0x2d: {  	[tilespmem:$0x2A0] =	vst v9  }
0x2e: {  	[tilespmem:$0x2B0] =	vst v10  }
0x2f: {  	[tilespmem:$0x2C0] =	vst v11  }
0x30: {  	[tilespmem:$0x2D0] =	vst v12  }
0x31: {  	[tilespmem:$0x2E0] =	vst v13  }
0x32: {  	[tilespmem:$0x2F0] =	vst v14  }
0x33: {  	[tilespmem:$0x300] =	vst v15  }
0x34: {  	[tilespmem:$0x310] =	vst v17  }
0x35: {  	[tilespmem:$0x320] =	vst v18  }
0x36: {  	[tilespmem:$0x330] =	vst v19  }
0x37: {  	[tilespmem:$0x340] =	vst v20  }
0x38: {  	[tilespmem:$0x350] =	vst v21  }
0x39: {  	[tilespmem:$0x360] =	vst v22  }
0x3a: {  	[tilespmem:$0x370] =	vst v23  }
0x3b: {  	[tilespmem:$0x380] =	vst v24  }
0x3c: {  	[tilespmem:$0x390] =	vst v25  }
0x3d: {  	[tilespmem:$0x3A0] =	vst v26  }
0x3e: {  	[tilespmem:$0x3B0] =	vst v27  }
0x3f: {  	[tilespmem:$0x3C0] =	vst v28  }
0x40: {  	[tilespmem:$0x3D0] =	vst v29  }
0x41: {  	[tilespmem:$0x3E0] =	vst v30  }
0x42: {  	[tilespmem:$0x3F0] =	vst v31  }
0x43: {  	[tilespmem:$0x400] =	vst v32  }
0x44: {  	[tilespmem:$0x410] =	vst v32  }
0x45: {  	[tilespmem:$0x420] =	vst v32  }
0x46: {  	[tilespmem:$0x430] =	vst v32  }
0x47: {  	[tilespmem:$0x440] =	vst v32  }
0x48: {  	[tilespmem:$0x450] =	vst v32  }
0x49: {  	[tilespmem:$0x460] =	vst v32  }
0x4a: {  	[tilespmem:$0x470] =	vst v32  }
0x4b: {  	[tilespmem:$0x480] =	vst v32  }
0x4c: {  	[tilespmem:$0x490] =	vst v32  }
0x4d: {  	[tilespmem:$0x4A0] =	vst v32  }
0x4e: {  	[tilespmem:$0x4B0] =	vst v32  }
0x4f: {  	[tilespmem:$0x4C0] =	vst v32  }
0x50: {  	[tilespmem:$0x4D0] =	vst v32  }
0x51: {  	[tilespmem:$0x4E0] =	vst v32  }
0x52: {  	[tilespmem:$0x4F0] =	vst v32  }
0x53: {  	[tilespmem:$0x500] =	vst v32  }
0x54: {  	[tilespmem:$0x510] =	vst v32  }
0x55: {  	[tilespmem:$0x520] =	vst v32  }
0x56: {  	[tilespmem:$0x530] =	vst v32  }
0x57: {  	[tilespmem:$0x540] =	vst v32  }
0x58: {  	[tilespmem:$0x550] =	vst v32  }
0x59: {  	[tilespmem:$0x560] =	vst v32  }
0x5a: {  	[tilespmem:$0x570] =	vst v32  }
0x5b: {  	[tilespmem:$0x580] =	vst v32  }
0x5c: {  	[tilespmem:$0x590] =	vst v32  }
0x5d: {  	[tilespmem:$0x5A0] =	vst v32  }
0x5e: {  	[tilespmem:$0x5B0] =	vst v32  }
0x5f: {  	[tilespmem:$0x5C0] =	vst v32  }
0x60: {  	[tilespmem:$0x5D0] =	vst v32  }
0x61: {  	[tilespmem:$0x5E0] =	vst v32  }
0x62: {  	[tilespmem:$0x5F0] =	vst v32  }
0x63: {  	[tilespmem:$0x600] =	vst v32  }
0x64: {  	[tilespmem:$0x610] =	vst v32  }
0x65: {  	[spmem:s5] =	stream.linear.scatter [tilespmem:s9], [sflag:$0x3], $0x220, $0x38;
	[tilespmem:$0x8A0] =	vst v63  }
0x66: {  	_ =	swait.ge [sflag:s10], $0x220  }
0x67: {  	[sflag:s10] =	ssyncset.done $0x0  }
0x68: {  	[sflag:s10] =	ssyncadd.s32 $0xFFFFFDE0  }
0x69: {  	_ =	swait.ge [sflag:s11], $0x200  }
0x6a: {  	[sflag:s11] =	ssyncset.done $0x0  }
0x6b: {  	[sflag:s11] =	ssyncadd.s32 $0xFFFFFE00  }
0x6c: {  	[bflag:$0x0] =	sbarrier.arrive $0xFFFF  }
0x6d: {  	[spmem:s2] =	stream.indirect.scatter [tilespmem:s13], [sflag:$0x1], $0x1, s3, s12, $0xb8;
	[tilespmem:$0x8A0] =	vst v63  }
0x6e: {  	_ = 	snop  }
0x6f: {  	[spmem:s2] =	stream.indirect.scatter [tilespmem:s14], [sflag:$0x1], $0x1, s12, s12, $0xb8;
	[tilespmem:$0x8A0] =	vst v63  }
0x70: {  	_ = 	snop  }
0x71: {  	[spmem:s2] =	stream.indirect.scatter [tilespmem:s16], [sflag:$0x1], $0x1, s15, s12, $0xb8;
	[tilespmem:$0x8A0] =	vst v63  }
0x72: {  	_ = 	snop  }
0x73: {  	[spmem:s2] =	stream.indirect.scatter [tilespmem:s18], [sflag:$0x1], $0x1, s17, s12, $0xb8;
	[tilespmem:$0x8A0] =	vst v63  }
0x74: {  	_ =	swait.ge [sflag:s19], $0x80  }
0x75: {  	[sflag:s19] =	ssyncset.done $0x0  }
0x76: {  	[sflag:s19] =	ssyncadd.s32 $0xFFFFFF80  }
0x77: {  	_ =	swait.ge [sflag:s19], $0x80  }
0x78: {  	[sflag:s19] =	ssyncset.done $0x0  }
0x79: {  	[sflag:s19] =	ssyncadd.s32 $0xFFFFFF80  }
0x7a: {  	_ =	swait.ge [sflag:s19], $0x80  }
0x7b: {  	[sflag:s19] =	ssyncset.done $0x0  }
0x7c: {  	[sflag:s19] =	ssyncadd.s32 $0xFFFFFF80  }
0x7d: {  	_ =	swait.ge [sflag:s19], $0x80  }
0x7e: {  	[sflag:s19] =	ssyncset.done $0x0  }
0x7f: {  	[sflag:s19] =	ssyncadd.s32 $0xFFFFFF80  }
0x80: {  	[bflag:$0x0] =	sbarrier.arrive $0xFFFF  }
0x81: {  	[tilespmem:s9], [sflag:$0x3] =	stream.linear.gather [spmem:s6], $0x220, $0x38;
	[tilespmem:$0x8A0] =	vst v63  }
0x82: {  	_ =	swait.ge [sflag:s10], $0x220  }
0x83: {  	[sflag:s10] =	ssyncset.done $0x0  }
.Ltmp3:
0x84: {  	[sflag:s10] =	ssyncadd.s32 $0xFFFFFDE0;
	(pc) =	sbr.rel .LBB2_4-.Ltmp3, $4  }
0x85: {  	[hbm4b:s7+s3] =	stream.linear.scatter [tilespmem:s9], [sflag:$0x3], $0x220, $0x38;
	[tilespmem:$0x8A0] =	vst v63  }
0x86: {  	_ =	swait.ge [sflag:s10], $0x220  }
0x87: {  	[sflag:s10] =	ssyncset.done $0x0  }
0x88: {  	[sflag:s10] =	ssyncadd.s32 $0xFFFFFDE0  }
.LBB2_5:
0x89: {  	_ =	sfence.sel $0x180000  }
0x8a: {  	[bflag:$0x0] =	sbarrier.arrive $0xFFFF  }
0x8b: {  	p0 =	sne.s32 s0, $0x0;
	_ =	strace $0x90000047  }
0x8c: {  	s0 =	sadd.s32 @!p0 $0x100000, s1;
	[bflag:$0x2] =	sbarrier.arrive $0xFFFF  }
0x8d: {  	[sflag:s0] =	ssyncadd.tile.s32 @!p0 $0x1;
	_ =	shalt  }
.Lfunc_end2:
_tile_overlayer_lowered:
.L_overlay_start_2:
0x8e: {  	(tag) =	ssettag $0x2  }
0x8f: {  	s0 =	rddreg [dreg:$0x0];
	s2 =	stileid.u32  }
0x90: {  	s1 =	rddreg [dreg:$0x1];
	p0 =	sne.s32 s2, $0x0  }
0x91: {  	s3 =	rddreg [dreg:$0x2];
	[bflag:$0x3] =	sbarrier.arrive $0xFFFF;
	s2 =	simm.s32 @!p0 $0x1C03  }
0x92: {  	[timem:s3], [sflag:s2] =	dma.local @!p0 [hbm:s0], s1  }
0x93: {  	s0 =	simm.s32 @!p0 $0x3  }
0x94: {  	_ =	swait.ge @!p0 [sflag:s0], s1  }
0x95: {  	s1 =	ssub.s32 @!p0 $0x0, s1;
	[sflag:s0] =	ssyncset.done @!p0 $0x0  }
0x96: {  	[sflag:s0] =	ssyncadd.s32 @!p0 s1  }
0x97: {  	[bflag:$0x3] =	sbarrier.arrive $0xFFFF  }
0x98: {  	_ =	shalt  }

</sc_bundles>
